<compile_context>
chip_gen: v7x
topology: tpu7x:2x2x1
jax: 0.10.2.dev20260603
libtpu: 0.0.44.dev20260713+nightly
codegen_flags: <defaults>
</compile_context>

<pallas_src>
import functools
import jax
import jax.numpy as jnp
from jax import lax
from jax.experimental import pallas as pl
from jax.experimental.pallas import tpu as pltpu
from jax.experimental.pallas import tpu_sc as plsc

ALPHA = 20.0
BETA = 0.01

B = 128
D = 1024
T = 32768
N_STREAMS = 2
BLOCK_T = 4096
NSTEPS = T // (N_STREAMS * BLOCK_T)

SC_ROWS = 32
B_TC = B - SC_ROWS
NW = 32
L = 16
VEC_PER_ROW = T // L
UNROLL = 16
OUTER = VEC_PER_ROW // UNROLL


def _tc_kernel(orig_ref, masked_ref, *rest):
    mask_refs = rest[:N_STREAMS]
    out_ref = rest[N_STREAMS]
    acc_ref = rest[N_STREAMS + 1]
    i = pl.program_id(0)

    @pl.when(i == 0)
    def _init():
        acc_ref[0, 0] = 0.0

    part = 0.0
    for r in mask_refs:
        t = jnp.tanh(r[...] * 0.5)
        part += jnp.sum(t * t)
    acc_ref[0, 0] += part

    @pl.when(i == NSTEPS - 1)
    def _finish():
        o = orig_ref[...]
        m = masked_ref[...]
        d = m - o
        mse = jnp.sum(d * d) * (1.0 / (B * D))
        na = jnp.maximum(jnp.sqrt(jnp.sum(o * o, axis=1)), 1e-8)
        nb = jnp.maximum(jnp.sqrt(jnp.sum(m * m, axis=1)), 1e-8)
        dot = jnp.sum(o * m, axis=1)
        cos = jnp.mean(1.0 - dot / (na * nb))
        semantic = mse + 0.1 * cos
        tcsum = 0.25 * B_TC * T - 0.25 * acc_ref[0, 0]
        lane = jax.lax.broadcasted_iota(jnp.int32, (1, 128), 1)
        row = jnp.where(lane == 0, semantic, jnp.where(lane == 1, tcsum, 0.0))
        out_ref[...] = row


def _tc_mask_spec(s):
    return pl.BlockSpec((B_TC, BLOCK_T), lambda i, s=s: (0, i + s * NSTEPS))


_tc_call = pl.pallas_call(
    _tc_kernel,
    grid=(NSTEPS,),
    in_specs=[
        pl.BlockSpec((B, D), lambda i: (0, 0)),
        pl.BlockSpec((B, D), lambda i: (0, 0)),
    ] + [_tc_mask_spec(s) for s in range(N_STREAMS)],
    out_specs=pl.BlockSpec((1, 128), lambda i: (0, 0)),
    out_shape=jax.ShapeDtypeStruct((1, 128), jnp.float32),
    scratch_shapes=[pltpu.SMEM((1, 1), jnp.float32)],
    compiler_params=pltpu.CompilerParams(
        dimension_semantics=("arbitrary",),
    ),
)


@functools.partial(
    pl.kernel,
    out_type=jax.ShapeDtypeStruct((NW, L), jnp.float32),
    mesh=plsc.VectorSubcoreMesh(
        core_axis_name="c", subcore_axis_name="s",
        num_cores=2, num_subcores=16),
    scratch_types=[
        pltpu.VMEM((T,), jnp.float32),
        pltpu.VMEM((L,), jnp.float32),
    ],
)
def _sc_kernel(masks_hbm, out_hbm, row_v, acc_v):
    wid = lax.axis_index("s") * 2 + lax.axis_index("c")
    pltpu.sync_copy(masks_hbm.at[B_TC + wid], row_v)

    def outer(o, acc):
        base = o * (UNROLL * L)
        for j in range(UNROLL):
            x = row_v[pl.ds(base + j * L, L)]
            u = jnp.exp(-jnp.abs(x))
            den = 1.0 + u
            acc = acc + u / (den * den)
        return acc

    acc = lax.fori_loop(0, OUTER, outer, jnp.zeros((L,), jnp.float32))
    acc_v[...] = acc
    pltpu.sync_copy(acc_v, out_hbm.at[wid])


def kernel(orig_embeds, masked_embeds, masks):
    sc_parts = _sc_kernel(masks)
    out = _tc_call(orig_embeds, masked_embeds, *([masks] * N_STREAMS))
    semantic = out[0, 0]
    binary = (out[0, 1] + jnp.sum(sc_parts)) * (1.0 / (B * T))
    total = ALPHA * semantic + BETA * binary
    return (total, semantic, binary)

# --- scband reference (transcript-rebuilt; emitter-appended) ---
"""Pipeline reference for scband-semantic-compression-loss-3745211482117 (READ-ONLY COPY).

The authoritative reference and input builder live on the scoring server;
editing this copy changes nothing except your own understanding.
"""

import jax, jax.numpy as jnp
import numpy as np

ALPHA = 20.0
BETA = 0.01
TARGET_KEEP_RATIO = 0.2


def setup_inputs(seed: int = 0) -> dict:
    key = jax.random.key(seed)
    k1, k2, k3 = jax.random.split(key, 3)
    return {
        "orig_embeds": jax.random.normal(k1, (128, 1024), dtype=jnp.float32),
        "masked_embeds": jax.random.normal(k2, (128, 1024), dtype=jnp.float32),
        "masks": jax.random.normal(k3, (128, 32768), dtype=jnp.float32),
    }


def build_topk_mask(scores):
    B, T = scores.shape
    k = max(1, int(round(T * TARGET_KEEP_RATIO)))
    soft_mask = jax.nn.sigmoid(scores)
    _, topk_idx = jax.lax.top_k(scores, k)
    rows = jnp.arange(B)[:, None]
    hard_mask = jnp.zeros_like(scores).at[rows, topk_idx].set(1.0)
    st_mask = jax.lax.stop_gradient(hard_mask) - jax.lax.stop_gradient(soft_mask) + soft_mask
    return soft_mask, hard_mask, st_mask


def reference(orig_embeds, masked_embeds, masks):
    soft_mask, hard_mask, st_mask = build_topk_mask(masks)
    mse = jnp.mean((masked_embeds - orig_embeds) ** 2)
    eps = 1e-8
    na = jnp.maximum(jnp.linalg.norm(orig_embeds, axis=1), eps)
    nb = jnp.maximum(jnp.linalg.norm(masked_embeds, axis=1), eps)
    cos_sim = jnp.sum(orig_embeds * masked_embeds, axis=1) / (na * nb)
    cos = jnp.mean(1.0 - cos_sim)
    semantic_loss = mse + 0.1 * cos
    binary_loss = jnp.mean(soft_mask * (1.0 - soft_mask))
    compression_loss = binary_loss
    total_loss = ALPHA * semantic_loss + BETA * compression_loss
    return (total_loss, semantic_loss, compression_loss)

if __name__ == "__main__":
    import jax
    _d = setup_inputs()
    print(jax.jit(kernel)(*tuple(_d.values())))

</pallas_src>

<mosaic_0001>
#map = affine_map<(d0, d1) -> (0, 0)>
module attributes {stable_mosaic.version = 14 : i64} {
  func.func @_sc_kernel(%arg0: i32, %arg1: i32, %arg2: memref<128x32768xf32, #tpu.memory_space<hbm>>, %arg3: memref<32x16xf32, #tpu.memory_space<hbm>>, %arg4: memref<32768xf32, #tpu.memory_space<vmem>>, %arg5: memref<16xf32, #tpu.memory_space<vmem>>) attributes {dimension_semantics = [#tpu.dimension_semantics<core_parallel>, #tpu.dimension_semantics<subcore_parallel>], iteration_bounds = array<i64: 2, 16>, scalar_prefetch = 0 : i64, scratch_operands = 2 : i64, tpu.core_type = #tpu.core_type<sc_vector_subcore>, window_params = [{transform_indices = #map}, {transform_indices = #map}]} {
    %mul3A = arith.constant 2 : i32
    %mul3A_0 = arith.muli %arg1, %mul3A : i32
    %add3A = arith.addi %mul3A_0, %arg0 : i32
    %add3A_1 = arith.constant 96 : i32
    %add3A_2 = arith.addi %add3A_1, %add3A : i32
    "tpu.region"() ({
      %run_scoped3A = tpu.sem_alloc : memref<!tpu.dma_semaphore, #tpu.memory_space<semaphore_mem>>
      %dma_start3A = arith.constant 0 : i32
      %dma_start3A_12 = tpu.memref_slice %arg2[%add3A_2, %dma_start3A] : memref<128x32768xf32, #tpu.memory_space<hbm>> -> memref<1x32768xf32, #tpu.memory_space<hbm>>
      %dma_start3A_13 = tpu.memref_squeeze %dma_start3A_12 : memref<1x32768xf32, #tpu.memory_space<hbm>> -> memref<32768xf32, #tpu.memory_space<hbm>>
      %dma_start3A_14 = arith.constant 0 : i32
      %dma_start3A_15 = tpu.memref_slice %arg2[%add3A_2, %dma_start3A_14] : memref<128x32768xf32, #tpu.memory_space<hbm>> -> memref<1x32768xf32, #tpu.memory_space<hbm>>
      %dma_start3A_16 = tpu.memref_squeeze %dma_start3A_15 : memref<1x32768xf32, #tpu.memory_space<hbm>> -> memref<32768xf32, #tpu.memory_space<hbm>>
      tpu.enqueue_dma source(%dma_start3A_16 : memref<32768xf32, #tpu.memory_space<hbm>>) target(%arg4 : memref<32768xf32, #tpu.memory_space<vmem>>) target_semaphore(%run_scoped3A : memref<!tpu.dma_semaphore, #tpu.memory_space<semaphore_mem>>)
      %dma_wait3A = arith.constant 0 : i32
      %dma_wait3A_17 = tpu.memref_slice %arg2[%add3A_2, %dma_wait3A] : memref<128x32768xf32, #tpu.memory_space<hbm>> -> memref<1x32768xf32, #tpu.memory_space<hbm>>
      %dma_wait3A_18 = tpu.memref_squeeze %dma_wait3A_17 : memref<1x32768xf32, #tpu.memory_space<hbm>> -> memref<32768xf32, #tpu.memory_space<hbm>>
      %dma_wait3A_19 = arith.constant 0 : i32
      %dma_wait3A_20 = tpu.memref_slice %arg2[%add3A_2, %dma_wait3A_19] : memref<128x32768xf32, #tpu.memory_space<hbm>> -> memref<1x32768xf32, #tpu.memory_space<hbm>>
      %dma_wait3A_21 = tpu.memref_squeeze %dma_wait3A_20 : memref<1x32768xf32, #tpu.memory_space<hbm>> -> memref<32768xf32, #tpu.memory_space<hbm>>
      tpu.wait_dma2 semaphore(%run_scoped3A : memref<!tpu.dma_semaphore, #tpu.memory_space<semaphore_mem>>) src(%dma_wait3A_21 : memref<32768xf32, #tpu.memory_space<hbm>>) dst(%arg4 : memref<32768xf32, #tpu.memory_space<vmem>>)
      tpu.yield
    }) : () -> ()
    %broadcast_in_dim3A = arith.constant 0.000000e+00 : f32
    %broadcast_in_dim3A_3 = vector.broadcast %broadcast_in_dim3A : f32 to vector<16xf32>
    %scan3A = arith.constant 0 : i32
    %scan3A_4 = arith.constant 128 : i32
    %scan3A_5 = arith.addi %scan3A, %scan3A_4 : i32
    %scan3A_6 = arith.constant 1 : i32
    %scan3A_7 = scf.for %scan3A_12 = %scan3A to %scan3A_5 step %scan3A_6 iter_args(%scan3A_13 = %broadcast_in_dim3A_3) -> (vector<16xf32>)  : i32 {
      %mul3A_14 = arith.constant 256 : i32
      %mul3A_15 = arith.muli %scan3A_12, %mul3A_14 : i32
      %add3A_16 = arith.constant 0 : i32
      %add3A_17 = arith.addi %mul3A_15, %add3A_16 : i32
      %get3A = arith.index_cast %add3A_17 : i32 to index
      %get3A_18 = tpu.vector_load %arg4[%get3A] {strides = array<i32>} : memref<32768xf32, #tpu.memory_space<vmem>>, vector<16xf32>,
      %get3A_19 = vector.shape_cast %get3A_18 : vector<16xf32> to vector<16xf32>
      %abs3A = math.absf %get3A_19 : vector<16xf32>
      %neg3A = arith.constant 0.000000e+00 : f32
      %neg3A_20 = vector.broadcast %neg3A : f32 to vector<16xf32>
      %neg3A_21 = arith.subf %neg3A_20, %abs3A : vector<16xf32>
      %exp3A = math.exp %neg3A_21 : vector<16xf32>
      %add3A_22 = arith.constant 1.000000e+00 : f32
      %add3A_23 = vector.broadcast %add3A_22 : f32 to vector<16xf32>
      %add3A_24 = arith.addf %add3A_23, %exp3A : vector<16xf32>
      %mul3A_25 = arith.mulf %add3A_24, %add3A_24 : vector<16xf32>
      %div3A = arith.divf %exp3A, %mul3A_25 : vector<16xf32>
      %add3A_26 = arith.addf %scan3A_13, %div3A : vector<16xf32>
      %add3A_27 = arith.constant 16 : i32
      %add3A_28 = arith.addi %mul3A_15, %add3A_27 : i32
      %get3A_29 = arith.index_cast %add3A_28 : i32 to index
      %get3A_30 = tpu.vector_load %arg4[%get3A_29] {strides = array<i32>} : memref<32768xf32, #tpu.memory_space<vmem>>, vector<16xf32>,
      %get3A_31 = vector.shape_cast %get3A_30 : vector<16xf32> to vector<16xf32>
      %abs3A_32 = math.absf %get3A_31 : vector<16xf32>
      %neg3A_33 = arith.constant 0.000000e+00 : f32
      %neg3A_34 = vector.broadcast %neg3A_33 : f32 to vector<16xf32>
      %neg3A_35 = arith.subf %neg3A_34, %abs3A_32 : vector<16xf32>
      %exp3A_36 = math.exp %neg3A_35 : vector<16xf32>
      %add3A_37 = arith.constant 1.000000e+00 : f32
      %add3A_38 = vector.broadcast %add3A_37 : f32 to vector<16xf32>
      %add3A_39 = arith.addf %add3A_38, %exp3A_36 : vector<16xf32>
      %mul3A_40 = arith.mulf %add3A_39, %add3A_39 : vector<16xf32>
      %div3A_41 = arith.divf %exp3A_36, %mul3A_40 : vector<16xf32>
      %add3A_42 = arith.addf %add3A_26, %div3A_41 : vector<16xf32>
      %add3A_43 = arith.constant 32 : i32
      %add3A_44 = arith.addi %mul3A_15, %add3A_43 : i32
      %get3A_45 = arith.index_cast %add3A_44 : i32 to index
      %get3A_46 = tpu.vector_load %arg4[%get3A_45] {strides = array<i32>} : memref<32768xf32, #tpu.memory_space<vmem>>, vector<16xf32>,
      %get3A_47 = vector.shape_cast %get3A_46 : vector<16xf32> to vector<16xf32>
      %abs3A_48 = math.absf %get3A_47 : vector<16xf32>
      %neg3A_49 = arith.constant 0.000000e+00 : f32
      %neg3A_50 = vector.broadcast %neg3A_49 : f32 to vector<16xf32>
      %neg3A_51 = arith.subf %neg3A_50, %abs3A_48 : vector<16xf32>
      %exp3A_52 = math.exp %neg3A_51 : vector<16xf32>
      %add3A_53 = arith.constant 1.000000e+00 : f32
      %add3A_54 = vector.broadcast %add3A_53 : f32 to vector<16xf32>
      %add3A_55 = arith.addf %add3A_54, %exp3A_52 : vector<16xf32>
      %mul3A_56 = arith.mulf %add3A_55, %add3A_55 : vector<16xf32>
      %div3A_57 = arith.divf %exp3A_52, %mul3A_56 : vector<16xf32>
      %add3A_58 = arith.addf %add3A_42, %div3A_57 : vector<16xf32>
      %add3A_59 = arith.constant 48 : i32
      %add3A_60 = arith.addi %mul3A_15, %add3A_59 : i32
      %get3A_61 = arith.index_cast %add3A_60 : i32 to index
      %get3A_62 = tpu.vector_load %arg4[%get3A_61] {strides = array<i32>} : memref<32768xf32, #tpu.memory_space<vmem>>, vector<16xf32>,
      %get3A_63 = vector.shape_cast %get3A_62 : vector<16xf32> to vector<16xf32>
      %abs3A_64 = math.absf %get3A_63 : vector<16xf32>
      %neg3A_65 = arith.constant 0.000000e+00 : f32
      %neg3A_66 = vector.broadcast %neg3A_65 : f32 to vector<16xf32>
      %neg3A_67 = arith.subf %neg3A_66, %abs3A_64 : vector<16xf32>
      %exp3A_68 = math.exp %neg3A_67 : vector<16xf32>
      %add3A_69 = arith.constant 1.000000e+00 : f32
      %add3A_70 = vector.broadcast %add3A_69 : f32 to vector<16xf32>
      %add3A_71 = arith.addf %add3A_70, %exp3A_68 : vector<16xf32>
      %mul3A_72 = arith.mulf %add3A_71, %add3A_71 : vector<16xf32>
      %div3A_73 = arith.divf %exp3A_68, %mul3A_72 : vector<16xf32>
      %add3A_74 = arith.addf %add3A_58, %div3A_73 : vector<16xf32>
      %add3A_75 = arith.constant 64 : i32
      %add3A_76 = arith.addi %mul3A_15, %add3A_75 : i32
      %get3A_77 = arith.index_cast %add3A_76 : i32 to index
      %get3A_78 = tpu.vector_load %arg4[%get3A_77] {strides = array<i32>} : memref<32768xf32, #tpu.memory_space<vmem>>, vector<16xf32>,
      %get3A_79 = vector.shape_cast %get3A_78 : vector<16xf32> to vector<16xf32>
      %abs3A_80 = math.absf %get3A_79 : vector<16xf32>
      %neg3A_81 = arith.constant 0.000000e+00 : f32
      %neg3A_82 = vector.broadcast %neg3A_81 : f32 to vector<16xf32>
      %neg3A_83 = arith.subf %neg3A_82, %abs3A_80 : vector<16xf32>
      %exp3A_84 = math.exp %neg3A_83 : vector<16xf32>
      %add3A_85 = arith.constant 1.000000e+00 : f32
      %add3A_86 = vector.broadcast %add3A_85 : f32 to vector<16xf32>
      %add3A_87 = arith.addf %add3A_86, %exp3A_84 : vector<16xf32>
      %mul3A_88 = arith.mulf %add3A_87, %add3A_87 : vector<16xf32>
      %div3A_89 = arith.divf %exp3A_84, %mul3A_88 : vector<16xf32>
      %add3A_90 = arith.addf %add3A_74, %div3A_89 : vector<16xf32>
      %add3A_91 = arith.constant 80 : i32
      %add3A_92 = arith.addi %mul3A_15, %add3A_91 : i32
      %get3A_93 = arith.index_cast %add3A_92 : i32 to index
      %get3A_94 = tpu.vector_load %arg4[%get3A_93] {strides = array<i32>} : memref<32768xf32, #tpu.memory_space<vmem>>, vector<16xf32>,
      %get3A_95 = vector.shape_cast %get3A_94 : vector<16xf32> to vector<16xf32>
      %abs3A_96 = math.absf %get3A_95 : vector<16xf32>
      %neg3A_97 = arith.constant 0.000000e+00 : f32
      %neg3A_98 = vector.broadcast %neg3A_97 : f32 to vector<16xf32>
      %neg3A_99 = arith.subf %neg3A_98, %abs3A_96 : vector<16xf32>
      %exp3A_100 = math.exp %neg3A_99 : vector<16xf32>
      %add3A_101 = arith.constant 1.000000e+00 : f32
      %add3A_102 = vector.broadcast %add3A_101 : f32 to vector<16xf32>
      %add3A_103 = arith.addf %add3A_102, %exp3A_100 : vector<16xf32>
      %mul3A_104 = arith.mulf %add3A_103, %add3A_103 : vector<16xf32>
      %div3A_105 = arith.divf %exp3A_100, %mul3A_104 : vector<16xf32>
      %add3A_106 = arith.addf %add3A_90, %div3A_105 : vector<16xf32>
      %add3A_107 = arith.constant 96 : i32
      %add3A_108 = arith.addi %mul3A_15, %add3A_107 : i32
      %get3A_109 = arith.index_cast %add3A_108 : i32 to index
      %get3A_110 = tpu.vector_load %arg4[%get3A_109] {strides = array<i32>} : memref<32768xf32, #tpu.memory_space<vmem>>, vector<16xf32>,
      %get3A_111 = vector.shape_cast %get3A_110 : vector<16xf32> to vector<16xf32>
      %abs3A_112 = math.absf %get3A_111 : vector<16xf32>
      %neg3A_113 = arith.constant 0.000000e+00 : f32
      %neg3A_114 = vector.broadcast %neg3A_113 : f32 to vector<16xf32>
      %neg3A_115 = arith.subf %neg3A_114, %abs3A_112 : vector<16xf32>
      %exp3A_116 = math.exp %neg3A_115 : vector<16xf32>
      %add3A_117 = arith.constant 1.000000e+00 : f32
      %add3A_118 = vector.broadcast %add3A_117 : f32 to vector<16xf32>
      %add3A_119 = arith.addf %add3A_118, %exp3A_116 : vector<16xf32>
      %mul3A_120 = arith.mulf %add3A_119, %add3A_119 : vector<16xf32>
      %div3A_121 = arith.divf %exp3A_116, %mul3A_120 : vector<16xf32>
      %add3A_122 = arith.addf %add3A_106, %div3A_121 : vector<16xf32>
      %add3A_123 = arith.constant 112 : i32
      %add3A_124 = arith.addi %mul3A_15, %add3A_123 : i32
      %get3A_125 = arith.index_cast %add3A_124 : i32 to index
      %get3A_126 = tpu.vector_load %arg4[%get3A_125] {strides = array<i32>} : memref<32768xf32, #tpu.memory_space<vmem>>, vector<16xf32>,
      %get3A_127 = vector.shape_cast %get3A_126 : vector<16xf32> to vector<16xf32>
      %abs3A_128 = math.absf %get3A_127 : vector<16xf32>
      %neg3A_129 = arith.constant 0.000000e+00 : f32
      %neg3A_130 = vector.broadcast %neg3A_129 : f32 to vector<16xf32>
      %neg3A_131 = arith.subf %neg3A_130, %abs3A_128 : vector<16xf32>
      %exp3A_132 = math.exp %neg3A_131 : vector<16xf32>
      %add3A_133 = arith.constant 1.000000e+00 : f32
      %add3A_134 = vector.broadcast %add3A_133 : f32 to vector<16xf32>
      %add3A_135 = arith.addf %add3A_134, %exp3A_132 : vector<16xf32>
      %mul3A_136 = arith.mulf %add3A_135, %add3A_135 : vector<16xf32>
      %div3A_137 = arith.divf %exp3A_132, %mul3A_136 : vector<16xf32>
      %add3A_138 = arith.addf %add3A_122, %div3A_137 : vector<16xf32>
      %add3A_139 = arith.constant 128 : i32
      %add3A_140 = arith.addi %mul3A_15, %add3A_139 : i32
      %get3A_141 = arith.index_cast %add3A_140 : i32 to index
      %get3A_142 = tpu.vector_load %arg4[%get3A_141] {strides = array<i32>} : memref<32768xf32, #tpu.memory_space<vmem>>, vector<16xf32>,
      %get3A_143 = vector.shape_cast %get3A_142 : vector<16xf32> to vector<16xf32>
      %abs3A_144 = math.absf %get3A_143 : vector<16xf32>
      %neg3A_145 = arith.constant 0.000000e+00 : f32
      %neg3A_146 = vector.broadcast %neg3A_145 : f32 to vector<16xf32>
      %neg3A_147 = arith.subf %neg3A_146, %abs3A_144 : vector<16xf32>
      %exp3A_148 = math.exp %neg3A_147 : vector<16xf32>
      %add3A_149 = arith.constant 1.000000e+00 : f32
      %add3A_150 = vector.broadcast %add3A_149 : f32 to vector<16xf32>
      %add3A_151 = arith.addf %add3A_150, %exp3A_148 : vector<16xf32>
      %mul3A_152 = arith.mulf %add3A_151, %add3A_151 : vector<16xf32>
      %div3A_153 = arith.divf %exp3A_148, %mul3A_152 : vector<16xf32>
      %add3A_154 = arith.addf %add3A_138, %div3A_153 : vector<16xf32>
      %add3A_155 = arith.constant 144 : i32
      %add3A_156 = arith.addi %mul3A_15, %add3A_155 : i32
      %get3A_157 = arith.index_cast %add3A_156 : i32 to index
      %get3A_158 = tpu.vector_load %arg4[%get3A_157] {strides = array<i32>} : memref<32768xf32, #tpu.memory_space<vmem>>, vector<16xf32>,
      %get3A_159 = vector.shape_cast %get3A_158 : vector<16xf32> to vector<16xf32>
      %abs3A_160 = math.absf %get3A_159 : vector<16xf32>
      %neg3A_161 = arith.constant 0.000000e+00 : f32
      %neg3A_162 = vector.broadcast %neg3A_161 : f32 to vector<16xf32>
      %neg3A_163 = arith.subf %neg3A_162, %abs3A_160 : vector<16xf32>
      %exp3A_164 = math.exp %neg3A_163 : vector<16xf32>
      %add3A_165 = arith.constant 1.000000e+00 : f32
      %add3A_166 = vector.broadcast %add3A_165 : f32 to vector<16xf32>
      %add3A_167 = arith.addf %add3A_166, %exp3A_164 : vector<16xf32>
      %mul3A_168 = arith.mulf %add3A_167, %add3A_167 : vector<16xf32>
      %div3A_169 = arith.divf %exp3A_164, %mul3A_168 : vector<16xf32>
      %add3A_170 = arith.addf %add3A_154, %div3A_169 : vector<16xf32>
      %add3A_171 = arith.constant 160 : i32
      %add3A_172 = arith.addi %mul3A_15, %add3A_171 : i32
      %get3A_173 = arith.index_cast %add3A_172 : i32 to index
      %get3A_174 = tpu.vector_load %arg4[%get3A_173] {strides = array<i32>} : memref<32768xf32, #tpu.memory_space<vmem>>, vector<16xf32>,
      %get3A_175 = vector.shape_cast %get3A_174 : vector<16xf32> to vector<16xf32>
      %abs3A_176 = math.absf %get3A_175 : vector<16xf32>
      %neg3A_177 = arith.constant 0.000000e+00 : f32
      %neg3A_178 = vector.broadcast %neg3A_177 : f32 to vector<16xf32>
      %neg3A_179 = arith.subf %neg3A_178, %abs3A_176 : vector<16xf32>
      %exp3A_180 = math.exp %neg3A_179 : vector<16xf32>
      %add3A_181 = arith.constant 1.000000e+00 : f32
      %add3A_182 = vector.broadcast %add3A_181 : f32 to vector<16xf32>
      %add3A_183 = arith.addf %add3A_182, %exp3A_180 : vector<16xf32>
      %mul3A_184 = arith.mulf %add3A_183, %add3A_183 : vector<16xf32>
      %div3A_185 = arith.divf %exp3A_180, %mul3A_184 : vector<16xf32>
      %add3A_186 = arith.addf %add3A_170, %div3A_185 : vector<16xf32>
      %add3A_187 = arith.constant 176 : i32
      %add3A_188 = arith.addi %mul3A_15, %add3A_187 : i32
      %get3A_189 = arith.index_cast %add3A_188 : i32 to index
      %get3A_190 = tpu.vector_load %arg4[%get3A_189] {strides = array<i32>} : memref<32768xf32, #tpu.memory_space<vmem>>, vector<16xf32>,
      %get3A_191 = vector.shape_cast %get3A_190 : vector<16xf32> to vector<16xf32>
      %abs3A_192 = math.absf %get3A_191 : vector<16xf32>
      %neg3A_193 = arith.constant 0.000000e+00 : f32
      %neg3A_194 = vector.broadcast %neg3A_193 : f32 to vector<16xf32>
      %neg3A_195 = arith.subf %neg3A_194, %abs3A_192 : vector<16xf32>
      %exp3A_196 = math.exp %neg3A_195 : vector<16xf32>
      %add3A_197 = arith.constant 1.000000e+00 : f32
      %add3A_198 = vector.broadcast %add3A_197 : f32 to vector<16xf32>
      %add3A_199 = arith.addf %add3A_198, %exp3A_196 : vector<16xf32>
      %mul3A_200 = arith.mulf %add3A_199, %add3A_199 : vector<16xf32>
      %div3A_201 = arith.divf %exp3A_196, %mul3A_200 : vector<16xf32>
      %add3A_202 = arith.addf %add3A_186, %div3A_201 : vector<16xf32>
      %add3A_203 = arith.constant 192 : i32
      %add3A_204 = arith.addi %mul3A_15, %add3A_203 : i32
      %get3A_205 = arith.index_cast %add3A_204 : i32 to index
      %get3A_206 = tpu.vector_load %arg4[%get3A_205] {strides = array<i32>} : memref<32768xf32, #tpu.memory_space<vmem>>, vector<16xf32>,
      %get3A_207 = vector.shape_cast %get3A_206 : vector<16xf32> to vector<16xf32>
      %abs3A_208 = math.absf %get3A_207 : vector<16xf32>
      %neg3A_209 = arith.constant 0.000000e+00 : f32
      %neg3A_210 = vector.broadcast %neg3A_209 : f32 to vector<16xf32>
      %neg3A_211 = arith.subf %neg3A_210, %abs3A_208 : vector<16xf32>
      %exp3A_212 = math.exp %neg3A_211 : vector<16xf32>
      %add3A_213 = arith.constant 1.000000e+00 : f32
      %add3A_214 = vector.broadcast %add3A_213 : f32 to vector<16xf32>
      %add3A_215 = arith.addf %add3A_214, %exp3A_212 : vector<16xf32>
      %mul3A_216 = arith.mulf %add3A_215, %add3A_215 : vector<16xf32>
      %div3A_217 = arith.divf %exp3A_212, %mul3A_216 : vector<16xf32>
      %add3A_218 = arith.addf %add3A_202, %div3A_217 : vector<16xf32>
      %add3A_219 = arith.constant 208 : i32
      %add3A_220 = arith.addi %mul3A_15, %add3A_219 : i32
      %get3A_221 = arith.index_cast %add3A_220 : i32 to index
      %get3A_222 = tpu.vector_load %arg4[%get3A_221] {strides = array<i32>} : memref<32768xf32, #tpu.memory_space<vmem>>, vector<16xf32>,
      %get3A_223 = vector.shape_cast %get3A_222 : vector<16xf32> to vector<16xf32>
      %abs3A_224 = math.absf %get3A_223 : vector<16xf32>
      %neg3A_225 = arith.constant 0.000000e+00 : f32
      %neg3A_226 = vector.broadcast %neg3A_225 : f32 to vector<16xf32>
      %neg3A_227 = arith.subf %neg3A_226, %abs3A_224 : vector<16xf32>
      %exp3A_228 = math.exp %neg3A_227 : vector<16xf32>
      %add3A_229 = arith.constant 1.000000e+00 : f32
      %add3A_230 = vector.broadcast %add3A_229 : f32 to vector<16xf32>
      %add3A_231 = arith.addf %add3A_230, %exp3A_228 : vector<16xf32>
      %mul3A_232 = arith.mulf %add3A_231, %add3A_231 : vector<16xf32>
      %div3A_233 = arith.divf %exp3A_228, %mul3A_232 : vector<16xf32>
      %add3A_234 = arith.addf %add3A_218, %div3A_233 : vector<16xf32>
      %add3A_235 = arith.constant 224 : i32
      %add3A_236 = arith.addi %mul3A_15, %add3A_235 : i32
      %get3A_237 = arith.index_cast %add3A_236 : i32 to index
      %get3A_238 = tpu.vector_load %arg4[%get3A_237] {strides = array<i32>} : memref<32768xf32, #tpu.memory_space<vmem>>, vector<16xf32>,
      %get3A_239 = vector.shape_cast %get3A_238 : vector<16xf32> to vector<16xf32>
      %abs3A_240 = math.absf %get3A_239 : vector<16xf32>
      %neg3A_241 = arith.constant 0.000000e+00 : f32
      %neg3A_242 = vector.broadcast %neg3A_241 : f32 to vector<16xf32>
      %neg3A_243 = arith.subf %neg3A_242, %abs3A_240 : vector<16xf32>
      %exp3A_244 = math.exp %neg3A_243 : vector<16xf32>
      %add3A_245 = arith.constant 1.000000e+00 : f32
      %add3A_246 = vector.broadcast %add3A_245 : f32 to vector<16xf32>
      %add3A_247 = arith.addf %add3A_246, %exp3A_244 : vector<16xf32>
      %mul3A_248 = arith.mulf %add3A_247, %add3A_247 : vector<16xf32>
      %div3A_249 = arith.divf %exp3A_244, %mul3A_248 : vector<16xf32>
      %add3A_250 = arith.addf %add3A_234, %div3A_249 : vector<16xf32>
      %add3A_251 = arith.constant 240 : i32
      %add3A_252 = arith.addi %mul3A_15, %add3A_251 : i32
      %get3A_253 = arith.index_cast %add3A_252 : i32 to index
      %get3A_254 = tpu.vector_load %arg4[%get3A_253] {strides = array<i32>} : memref<32768xf32, #tpu.memory_space<vmem>>, vector<16xf32>,
      %get3A_255 = vector.shape_cast %get3A_254 : vector<16xf32> to vector<16xf32>
      %abs3A_256 = math.absf %get3A_255 : vector<16xf32>
      %neg3A_257 = arith.constant 0.000000e+00 : f32
      %neg3A_258 = vector.broadcast %neg3A_257 : f32 to vector<16xf32>
      %neg3A_259 = arith.subf %neg3A_258, %abs3A_256 : vector<16xf32>
      %exp3A_260 = math.exp %neg3A_259 : vector<16xf32>
      %add3A_261 = arith.constant 1.000000e+00 : f32
      %add3A_262 = vector.broadcast %add3A_261 : f32 to vector<16xf32>
      %add3A_263 = arith.addf %add3A_262, %exp3A_260 : vector<16xf32>
      %mul3A_264 = arith.mulf %add3A_263, %add3A_263 : vector<16xf32>
      %div3A_265 = arith.divf %exp3A_260, %mul3A_264 : vector<16xf32>
      %add3A_266 = arith.addf %add3A_250, %div3A_265 : vector<16xf32>
      scf.yield %add3A_266 : vector<16xf32>
    }
    %scan3A_8 = arith.constant 128 : i32
    %swap3A = arith.constant 0 : index
    %swap3A_9 = tpu.vector_load %arg5[%swap3A] {strides = array<i32>} : memref<16xf32, #tpu.memory_space<vmem>>, vector<16xf32>,
    %swap3A_10 = vector.shape_cast %swap3A_9 : vector<16xf32> to vector<16xf32>
    %swap3A_11 = vector.shape_cast %scan3A_7 : vector<16xf32> to vector<16xf32>
    tpu.vector_store %arg5[%swap3A], %swap3A_11 {strides = array<i32>} : memref<16xf32, #tpu.memory_space<vmem>>, vector<16xf32>,
    "tpu.region"() ({
      %run_scoped3A = tpu.sem_alloc : memref<!tpu.dma_semaphore, #tpu.memory_space<semaphore_mem>>
      %dma_start3A = arith.constant 0 : i32
      %dma_start3A_12 = tpu.memref_slice %arg3[%add3A, %dma_start3A] : memref<32x16xf32, #tpu.memory_space<hbm>> -> memref<1x16xf32, #tpu.memory_space<hbm>>
      %dma_start3A_13 = tpu.memref_squeeze %dma_start3A_12 : memref<1x16xf32, #tpu.memory_space<hbm>> -> memref<16xf32, #tpu.memory_space<hbm>>
      %dma_start3A_14 = arith.constant 0 : i32
      %dma_start3A_15 = tpu.memref_slice %arg3[%add3A, %dma_start3A_14] : memref<32x16xf32, #tpu.memory_space<hbm>> -> memref<1x16xf32, #tpu.memory_space<hbm>>
      %dma_start3A_16 = tpu.memref_squeeze %dma_start3A_15 : memref<1x16xf32, #tpu.memory_space<hbm>> -> memref<16xf32, #tpu.memory_space<hbm>>
      tpu.enqueue_dma source(%arg5 : memref<16xf32, #tpu.memory_space<vmem>>) target(%dma_start3A_16 : memref<16xf32, #tpu.memory_space<hbm>>) target_semaphore(%run_scoped3A : memref<!tpu.dma_semaphore, #tpu.memory_space<semaphore_mem>>)
      %dma_wait3A = arith.constant 0 : i32
      %dma_wait3A_17 = tpu.memref_slice %arg3[%add3A, %dma_wait3A] : memref<32x16xf32, #tpu.memory_space<hbm>> -> memref<1x16xf32, #tpu.memory_space<hbm>>
      %dma_wait3A_18 = tpu.memref_squeeze %dma_wait3A_17 : memref<1x16xf32, #tpu.memory_space<hbm>> -> memref<16xf32, #tpu.memory_space<hbm>>
      %dma_wait3A_19 = arith.constant 0 : i32
      %dma_wait3A_20 = tpu.memref_slice %arg3[%add3A, %dma_wait3A_19] : memref<32x16xf32, #tpu.memory_space<hbm>> -> memref<1x16xf32, #tpu.memory_space<hbm>>
      %dma_wait3A_21 = tpu.memref_squeeze %dma_wait3A_20 : memref<1x16xf32, #tpu.memory_space<hbm>> -> memref<16xf32, #tpu.memory_space<hbm>>
      tpu.wait_dma2 semaphore(%run_scoped3A : memref<!tpu.dma_semaphore, #tpu.memory_space<semaphore_mem>>) src(%arg5 : memref<16xf32, #tpu.memory_space<vmem>>) dst(%dma_wait3A_21 : memref<16xf32, #tpu.memory_space<hbm>>)
      tpu.yield
    }) : () -> ()
    return
  }
}

module attributes {stable_mosaic.version = 14 : i64} {
  func.func @_tc_kernel(%arg0: i32, %arg1: memref<128x1024xf32, #tpu.memory_space<vmem>>, %arg2: memref<128x1024xf32, #tpu.memory_space<vmem>>, %arg3: memref<96x4096xf32, #tpu.memory_space<vmem>>, %arg4: memref<96x4096xf32, #tpu.memory_space<vmem>>, %arg5: memref<1x128xf32, #tpu.memory_space<vmem>>, %arg6: memref<1x1xf32, #tpu.memory_space<smem>>) attributes {dimension_semantics = [#tpu.dimension_semantics<arbitrary>], iteration_bounds = array<i64: 4>, scalar_prefetch = 0 : i64, scratch_operands = 1 : i64, tpu.core_type = #tpu.core_type<tc>, window_params = [{pipeline_mode = #tpu.pipeline_mode<synchronous>, transform_indices = @transform_0, window_bounds = array<i64: 128, 1024>}, {pipeline_mode = #tpu.pipeline_mode<synchronous>, transform_indices = @transform_1, window_bounds = array<i64: 128, 1024>}, {transform_indices = @transform_2, window_bounds = array<i64: 96, 4096>}, {transform_indices = @transform_3, window_bounds = array<i64: 96, 4096>}, {pipeline_mode = #tpu.pipeline_mode<synchronous>, transform_indices = @transform_4, window_bounds = array<i64: 1, 128>}]} {
    %eq3A = arith.constant 0 : i32
    %eq3A_0 = arith.cmpi eq, %arg0, %eq3A : i32
    %convert_element_type3A = arith.extui %eq3A_0 : i1 to i32
    %cond3A = arith.constant 0 : i32
    %cond3A_1 = arith.cmpi ne, %convert_element_type3A, %cond3A : i32
    scf.if %cond3A_1 {
      %swap3A_37 = arith.constant 0.000000e+00 : f32
      %swap3A_38 = arith.constant 0 : index
      %swap3A_39 = arith.constant 0 : index
      %swap3A_40 = memref.load %arg6[%swap3A_38, %swap3A_39] : memref<1x1xf32, #tpu.memory_space<smem>>
      memref.store %swap3A_37, %arg6[%swap3A_38, %swap3A_39] : memref<1x1xf32, #tpu.memory_space<smem>>
    } else {
    }
    %get3A = arith.constant 0 : index
    %get3A_2 = arith.constant 0 : index
    %get3A_3 = vector.load %arg3[%get3A, %get3A_2] : memref<96x4096xf32, #tpu.memory_space<vmem>>, vector<96x4096xf32>
    %mul3A = arith.constant 5.000000e-01 : f32
    %mul3A_4 = vector.broadcast %mul3A : f32 to vector<96x4096xf32>
    %mul3A_5 = arith.mulf %get3A_3, %mul3A_4 : vector<96x4096xf32>
    %tanh3A = math.tanh %mul3A_5 : vector<96x4096xf32>
    %mul3A_6 = arith.mulf %tanh3A, %tanh3A : vector<96x4096xf32>
    %reduce_sum3A = vector.shape_cast %mul3A_6 : vector<96x4096xf32> to vector<1x96x4096xf32>
    %reduce_sum3A_7 = arith.constant dense<0.000000e+00> : vector<1xf32>
    %reduce_sum3A_8 = vector.multi_reduction <add>, %reduce_sum3A, %reduce_sum3A_7 [1, 2] : vector<1x96x4096xf32> to vector<1xf32>
    %reduce_sum3A_9 = vector.shape_cast %reduce_sum3A_8 : vector<1xf32> to vector<1x1x1xf32>
    %reduce_sum3A_10 = vector.extract %reduce_sum3A_9[0, 0, 0] : f32 from vector<1x1x1xf32>
    %add3A = arith.constant 0.000000e+00 : f32
    %add3A_11 = arith.addf %add3A, %reduce_sum3A_10 : f32
    %get3A_12 = arith.constant 0 : index
    %get3A_13 = arith.constant 0 : index
    %get3A_14 = vector.load %arg4[%get3A_12, %get3A_13] : memref<96x4096xf32, #tpu.memory_space<vmem>>, vector<96x4096xf32>
    %mul3A_15 = arith.constant 5.000000e-01 : f32
    %mul3A_16 = vector.broadcast %mul3A_15 : f32 to vector<96x4096xf32>
    %mul3A_17 = arith.mulf %get3A_14, %mul3A_16 : vector<96x4096xf32>
    %tanh3A_18 = math.tanh %mul3A_17 : vector<96x4096xf32>
    %mul3A_19 = arith.mulf %tanh3A_18, %tanh3A_18 : vector<96x4096xf32>
    %reduce_sum3A_20 = vector.shape_cast %mul3A_19 : vector<96x4096xf32> to vector<1x96x4096xf32>
    %reduce_sum3A_21 = arith.constant dense<0.000000e+00> : vector<1xf32>
    %reduce_sum3A_22 = vector.multi_reduction <add>, %reduce_sum3A_20, %reduce_sum3A_21 [1, 2] : vector<1x96x4096xf32> to vector<1xf32>
    %reduce_sum3A_23 = vector.shape_cast %reduce_sum3A_22 : vector<1xf32> to vector<1x1x1xf32>
    %reduce_sum3A_24 = vector.extract %reduce_sum3A_23[0, 0, 0] : f32 from vector<1x1x1xf32>
    %add3A_25 = arith.addf %add3A_11, %reduce_sum3A_24 : f32
    %get3A_26 = arith.constant 0 : index
    %get3A_27 = arith.constant 0 : index
    %get3A_28 = memref.load %arg6[%get3A_26, %get3A_27] : memref<1x1xf32, #tpu.memory_space<smem>>
    %add3A_29 = arith.addf %get3A_28, %add3A_25 : f32
    %swap3A = arith.constant 0 : index
    %swap3A_30 = arith.constant 0 : index
    %swap3A_31 = memref.load %arg6[%swap3A, %swap3A_30] : memref<1x1xf32, #tpu.memory_space<smem>>
    memref.store %add3A_29, %arg6[%swap3A, %swap3A_30] : memref<1x1xf32, #tpu.memory_space<smem>>
    %eq3A_32 = arith.constant 3 : i32
    %eq3A_33 = arith.cmpi eq, %arg0, %eq3A_32 : i32
    %convert_element_type3A_34 = arith.extui %eq3A_33 : i1 to i32
    %cond3A_35 = arith.constant 0 : i32
    %cond3A_36 = arith.cmpi ne, %convert_element_type3A_34, %cond3A_35 : i32
    scf.if %cond3A_36 {
      %get3A_37 = arith.constant 0 : index
      %get3A_38 = arith.constant 0 : index
      %get3A_39 = vector.load %arg1[%get3A_37, %get3A_38] : memref<128x1024xf32, #tpu.memory_space<vmem>>, vector<128x1024xf32>
      %get3A_40 = arith.constant 0 : index
      %get3A_41 = arith.constant 0 : index
      %get3A_42 = vector.load %arg2[%get3A_40, %get3A_41] : memref<128x1024xf32, #tpu.memory_space<vmem>>, vector<128x1024xf32>
      %sub3A = arith.subf %get3A_42, %get3A_39 : vector<128x1024xf32>
      %mul3A_43 = arith.mulf %sub3A, %sub3A : vector<128x1024xf32>
      %reduce_sum3A_44 = vector.shape_cast %mul3A_43 : vector<128x1024xf32> to vector<1x128x1024xf32>
      %reduce_sum3A_45 = arith.constant dense<0.000000e+00> : vector<1xf32>
      %reduce_sum3A_46 = vector.multi_reduction <add>, %reduce_sum3A_44, %reduce_sum3A_45 [1, 2] : vector<1x128x1024xf32> to vector<1xf32>
      %reduce_sum3A_47 = vector.shape_cast %reduce_sum3A_46 : vector<1xf32> to vector<1x1x1xf32>
      %reduce_sum3A_48 = vector.extract %reduce_sum3A_47[0, 0, 0] : f32 from vector<1x1x1xf32>
      %mul3A_49 = arith.constant 7.62939453E-6 : f32
      %mul3A_50 = arith.mulf %reduce_sum3A_48, %mul3A_49 : f32
      %mul3A_51 = arith.mulf %get3A_39, %get3A_39 : vector<128x1024xf32>
      %reduce_sum3A_52 = arith.constant dense<0.000000e+00> : vector<128xf32>
      %reduce_sum3A_53 = vector.multi_reduction <add>, %mul3A_51, %reduce_sum3A_52 [1] : vector<128x1024xf32> to vector<128xf32>
      %sqrt3A = math.sqrt %reduce_sum3A_53 : vector<128xf32>
      %max3A = arith.constant 9.99999993E-9 : f32
      %max3A_54 = vector.broadcast %max3A : f32 to vector<128xf32>
      %max3A_55 = arith.maximumf %sqrt3A, %max3A_54 : vector<128xf32>
      %mul3A_56 = arith.mulf %get3A_42, %get3A_42 : vector<128x1024xf32>
      %reduce_sum3A_57 = arith.constant dense<0.000000e+00> : vector<128xf32>
      %reduce_sum3A_58 = vector.multi_reduction <add>, %mul3A_56, %reduce_sum3A_57 [1] : vector<128x1024xf32> to vector<128xf32>
      %sqrt3A_59 = math.sqrt %reduce_sum3A_58 : vector<128xf32>
      %max3A_60 = arith.constant 9.99999993E-9 : f32
      %max3A_61 = vector.broadcast %max3A_60 : f32 to vector<128xf32>
      %max3A_62 = arith.maximumf %sqrt3A_59, %max3A_61 : vector<128xf32>
      %mul3A_63 = arith.mulf %get3A_39, %get3A_42 : vector<128x1024xf32>
      %reduce_sum3A_64 = arith.constant dense<0.000000e+00> : vector<128xf32>
      %reduce_sum3A_65 = vector.multi_reduction <add>, %mul3A_63, %reduce_sum3A_64 [1] : vector<128x1024xf32> to vector<128xf32>
      %mul3A_66 = arith.mulf %max3A_55, %max3A_62 : vector<128xf32>
      %div3A = arith.divf %reduce_sum3A_65, %mul3A_66 : vector<128xf32>
      %sub3A_67 = arith.constant 1.000000e+00 : f32
      %sub3A_68 = vector.broadcast %sub3A_67 : f32 to vector<128xf32>
      %sub3A_69 = arith.subf %sub3A_68, %div3A : vector<128xf32>
      %reduce_sum3A_70 = vector.shape_cast %sub3A_69 : vector<128xf32> to vector<1x128xf32>
      %reduce_sum3A_71 = arith.constant dense<0.000000e+00> : vector<1xf32>
      %reduce_sum3A_72 = vector.multi_reduction <add>, %reduce_sum3A_70, %reduce_sum3A_71 [1] : vector<1x128xf32> to vector<1xf32>
      %reduce_sum3A_73 = vector.shape_cast %reduce_sum3A_72 : vector<1xf32> to vector<1x1xf32>
      %reduce_sum3A_74 = vector.extract %reduce_sum3A_73[0, 0] : f32 from vector<1x1xf32>
      %div3A_75 = arith.constant 1.280000e+02 : f32
      %div3A_76 = arith.divf %reduce_sum3A_74, %div3A_75 : f32
      %mul3A_77 = arith.constant 1.000000e-01 : f32
      %mul3A_78 = arith.mulf %mul3A_77, %div3A_76 : f32
      %add3A_79 = arith.addf %mul3A_50, %mul3A_78 : f32
      %get3A_80 = arith.constant 0 : index
      %get3A_81 = arith.constant 0 : index
      %get3A_82 = memref.load %arg6[%get3A_80, %get3A_81] : memref<1x1xf32, #tpu.memory_space<smem>>
      %mul3A_83 = arith.constant 2.500000e-01 : f32
      %mul3A_84 = arith.mulf %mul3A_83, %get3A_82 : f32
      %sub3A_85 = arith.constant 7.864320e+05 : f32
      %sub3A_86 = arith.subf %sub3A_85, %mul3A_84 : f32
      %iota3A = tpu.iota {dimensions = array<i32: 1>} : vector<1x128xi32>
      %eq3A_87 = arith.constant 0 : i32
      %eq3A_88 = vector.broadcast %eq3A_87 : i32 to vector<1x128xi32>
      %eq3A_89 = arith.cmpi eq, %iota3A, %eq3A_88 : vector<1x128xi32>
      %eq3A_90 = arith.constant 1 : i32
      %eq3A_91 = vector.broadcast %eq3A_90 : i32 to vector<1x128xi32>
      %eq3A_92 = arith.cmpi eq, %iota3A, %eq3A_91 : vector<1x128xi32>
      %jit3A = arith.constant 0.000000e+00 : f32
      %broadcast_in_dim3A = vector.broadcast %sub3A_86 : f32 to vector<1x128xf32>
      %broadcast_in_dim3A_93 = vector.broadcast %jit3A : f32 to vector<1x128xf32>
      %select_n3A = arith.select %eq3A_92, %broadcast_in_dim3A, %broadcast_in_dim3A_93 : vector<1x128xi1>, vector<1x128xf32>
      %broadcast_in_dim3A_94 = vector.broadcast %add3A_79 : f32 to vector<1x128xf32>
      %select_n3A_95 = arith.select %eq3A_89, %broadcast_in_dim3A_94, %select_n3A : vector<1x128xi1>, vector<1x128xf32>
      %swap3A_96 = arith.constant 0 : index
      %swap3A_97 = arith.constant 0 : index
      %swap3A_98 = vector.load %arg5[%swap3A_96, %swap3A_97] : memref<1x128xf32, #tpu.memory_space<vmem>>, vector<1x128xf32>
      tpu.vector_store %arg5[%swap3A_96, %swap3A_97], %select_n3A_95 {strides = array<i32>} : memref<1x128xf32, #tpu.memory_space<vmem>>, vector<1x128xf32>,
    } else {
    }
    return
  }
  func.func @transform_0(%arg0: i32) -> (i32, i32) {
    %c0_i32 = arith.constant 0 : i32
    %c0_i32_0 = arith.constant 0 : i32
    %c0_i32_1 = arith.constant 0 : i32
    return %c0_i32, %c0_i32_0 : i32, i32
  }
  func.func @transform_1(%arg0: i32) -> (i32, i32) {
    %c0_i32 = arith.constant 0 : i32
    %c0_i32_0 = arith.constant 0 : i32
    %c0_i32_1 = arith.constant 0 : i32
    return %c0_i32, %c0_i32_0 : i32, i32
  }
  func.func @transform_2(%arg0: i32) -> (i32, i32) {
    %add3A = arith.constant 0 : i32
    %add3A_0 = arith.addi %arg0, %add3A : i32
    %c0_i32 = arith.constant 0 : i32
    %c0_i32_1 = arith.constant 0 : i32
    return %c0_i32, %add3A_0 : i32, i32
  }
  func.func @transform_3(%arg0: i32) -> (i32, i32) {
    %add3A = arith.constant 4 : i32
    %add3A_0 = arith.addi %arg0, %add3A : i32
    %c0_i32 = arith.constant 0 : i32
    %c0_i32_1 = arith.constant 0 : i32
    return %c0_i32, %add3A_0 : i32, i32
  }
  func.func @transform_4(%arg0: i32) -> (i32, i32) {
    %c0_i32 = arith.constant 0 : i32
    %c0_i32_0 = arith.constant 0 : i32
    %c0_i32_1 = arith.constant 0 : i32
    return %c0_i32, %c0_i32_0 : i32, i32
  }
}

</mosaic_0001>

<sc_bundles>
// kernel: kernel.4.cloned.1.call-start
scs
__scs_entry_jumppad:
0x0: {  	(pc) =	sbr.rel $0x88, $3  }
0x1: {  	(tag) =	ssettag $0x0;
	lr =	simm.s32 $0x1  }
0x2: {  	[smem:$0x3F9E] =	sst lr;
	_ =	strace $0xD0000000  }
0x3: {  	_ = 	snop  }
0x4: {  	_ = 	snop  }
0x5: {  	_ = 	snop  }
0x6: {  	_ = 	snop  }
0x7: {  	_ = 	snop  }
__scs_overlays_trampoline_lowered:
0x8: {  	[smem:$0x3FAD] =	sst s0  }
0x9: {  	[smem:$0x3FAE] =	sst s1  }
0xa: {  	[smem:$0x3FAF] =	sst s2  }
0xb: {  	[smem:$0x3FB0] =	sst s3  }
0xc: {  	[smem:$0x3FB1] =	sst s4  }
0xd: {  	[smem:$0x3FB2] =	sst s5  }
0xe: {  	[smem:$0x3FB3] =	sst s6  }
0xf: {  	[smem:$0x3FB4] =	sst s7  }
0x10: {  	[smem:$0x3FB5] =	sst s8  }
0x11: {  	[smem:$0x3FB6] =	sst s9;
	s0 =	simm.s32 @!p0 $0x0  }
0x12: {  	s1 =	sld [smem:$0x3F9C];
	s0 =	simm.s32 @p0 $0x1  }
0x13: {  	[smem:$0x3FB7] =	sst s0;
	s0 =	simm.s32 @!p1 $0x0  }
0x14: {  	s2 =	sld [smem:$0x3F9B];
	s0 =	simm.s32 @p1 $0x1  }
0x15: {  	[smem:$0x3FB8] =	sst s0;
	s0 =	simm.s32 @!p2 $0x0  }
0x16: {  	s3 =	sld [smem:$0x3FDB];
	s0 =	simm.s32 @p2 $0x1  }
0x17: {  	s4 =	simm.s32 $0x1BF5;
	[smem:$0x3FBA] =	sst s0  }
0x18: {  	s0 =	sld [smem:$0x3F9D];
	_ =	swait.ge [sflag:s4], $0x0  }
0x19: {  	s7 =	sld [smem:$0x3F9E]  }
0x1a: {  	s8 =	sadd.s32 $0xFFFFE003, lr  }
0x1b: {  	s9 =	sadd.s32 $0xFFFFFEF7, lr;
	s5 =	simm.s32 $0xFFFFFFFF;
	p2 =	slt.u32 s8, $0xFFFFF086  }
0x1c: {  	p1 =	slt.u32 s9, $0xF7A;
	s5 =	simm.s32 @!p2 $0x0  }
0x1d: {  	s5 =	simm.s32 @p1 $0x1;
	p0 =	seq.s32 s7, s2  }
0x1e: {  	s7 =	smul.u32 @!p0 $0xF7A, s2;
	p2 =	seq.s32 @!p0 s5, $0x0  }
0x1f: {  	s9 =	smul.u32 $0xF7A, s1;
	s8 =	simm.s32 @!p0 $0x1BF5;
	p2 =	por !p2, p0  }
0x20: {  	[sflag:s8] =	ssyncset.s32 @!p0 $0xFFFFF086;
	s6 =	sadd.s32 @!p0 s3, s7;
	s7 =	simm.s32 @!p0 $0x108  }
0x21: {  	s3 =	sadd.s32 s3, s9;
	s6 =	sadd.s32 @!p0 $0x88, s6;
	s7 =	simm.s32 @p2 $0x1082  }
0x22: {  	[simem:s7], [sflag:s8] =	dma.local @!p0 [hbm:s6], $0xF7A  }
0x23: {  	s9 =	sor.u32 $0xD0000000, s2;
	s6 =	simm.s32 $0x108;
	_ =	swait.ge @!p0 [sflag:s8], $0x0  }
0x24: {  	s3 =	sadd.s32 $0x88, s3;
	s6 =	simm.s32 @!p1 $0x1082;
	[sflag:s4] =	ssyncset.s32 $0xFFFFF086  }
0x25: {  	[simem:s6], [sflag:s4] =	dma.local [hbm:s3], $0xF7A  }
0x26: {  	[smem:$0x3F9E] =	sst s1;
	(tag) =	ssettag s2;
	_ =	strace s9  }
0x27: {  	s1 =	sld [smem:$0x3FAE]  }
0x28: {  	s2 =	sld [smem:$0x3FAF]  }
0x29: {  	s4 =	sld [smem:$0x3FB1]  }
0x2a: {  	p0 =	seq.s32 s5, $0x0;
	s5 =	sld [smem:$0x3FB2]  }
0x2b: {  	s6 =	sld [smem:$0x3FB3]  }
0x2c: {  	s7 =	sld [smem:$0x3FB4]  }
0x2d: {  	s3 =	simm.s32 $0x108;
	s8 =	sld [smem:$0x3FB5]  }
0x2e: {  	s3 =	simm.s32 @!p0 $0x1082;
	s9 =	sld [smem:$0x3FB6]  }
0x2f: {  	lr =	sadd.s32 s0, s3;
	s0 =	sld [smem:$0x3FAD]  }
0x30: {  	s3 =	sld [smem:$0x3FB0]  }
0x31: {  	[smem:$0x3FB9] =	sst s10  }
0x32: {  	s10 =	sld [smem:$0x3FB7];
	_ =	sdelay $0x3  }
0x33: {  	p0 =	seq.s32 s10, $0x1;
	s10 =	sld [smem:$0x3FB9];
	_ =	sdelay $0x3  }
0x34: {  	[smem:$0x3FB9] =	sst s10  }
0x35: {  	s10 =	sld [smem:$0x3FB8];
	_ =	sdelay $0x3  }
0x36: {  	p1 =	seq.s32 s10, $0x1;
	s10 =	sld [smem:$0x3FB9];
	_ =	sdelay $0x3  }
0x37: {  	[smem:$0x3FB9] =	sst s10  }
0x38: {  	s10 =	sld [smem:$0x3FBA]  }
0x39: {  	_ = 	snop;
	(pc) =	sbr.ind lr, $3  }
0x3a: {  	_ = 	snop  }
0x3b: {  	_ = 	snop  }
0x3c: {  	p2 =	seq.s32 s10, $0x1;
	s10 =	sld [smem:$0x3FB9]  }
0x3d: {  	_ =	shalt  }
0x3e: {  	_ =	shalt  }
0x3f: {  	_ =	shalt  }
0x40: {  	_ =	shalt  }
0x41: {  	_ =	shalt  }
0x42: {  	_ =	shalt  }
0x43: {  	_ =	shalt  }
0x44: {  	_ =	shalt  }
0x45: {  	_ =	shalt  }
0x46: {  	_ =	shalt  }
0x47: {  	_ =	shalt  }
0x48: {  	_ =	shalt  }
0x49: {  	_ =	shalt  }
0x4a: {  	_ =	shalt  }
0x4b: {  	_ =	shalt  }
0x4c: {  	_ =	shalt  }
0x4d: {  	_ =	shalt  }
0x4e: {  	_ =	shalt  }
0x4f: {  	_ =	shalt  }
0x50: {  	_ =	shalt  }
0x51: {  	_ =	shalt  }
0x52: {  	_ =	shalt  }
0x53: {  	_ =	shalt  }
0x54: {  	_ =	shalt  }
0x55: {  	_ =	shalt  }
0x56: {  	_ =	shalt  }
0x57: {  	_ =	shalt  }
0x58: {  	_ =	shalt  }
0x59: {  	_ =	shalt  }
0x5a: {  	_ =	shalt  }
0x5b: {  	_ =	shalt  }
0x5c: {  	_ =	shalt  }
0x5d: {  	_ =	shalt  }
0x5e: {  	_ =	shalt  }
0x5f: {  	_ =	shalt  }
0x60: {  	_ =	shalt  }
0x61: {  	_ =	shalt  }
0x62: {  	_ =	shalt  }
0x63: {  	_ =	shalt  }
0x64: {  	_ =	shalt  }
0x65: {  	_ =	shalt  }
0x66: {  	_ =	shalt  }
0x67: {  	_ =	shalt  }
0x68: {  	_ =	shalt  }
0x69: {  	_ =	shalt  }
0x6a: {  	_ =	shalt  }
0x6b: {  	_ =	shalt  }
0x6c: {  	_ =	shalt  }
0x6d: {  	_ =	shalt  }
0x6e: {  	_ =	shalt  }
0x6f: {  	_ =	shalt  }
0x70: {  	_ =	shalt  }
0x71: {  	_ =	shalt  }
0x72: {  	_ =	shalt  }
0x73: {  	_ =	shalt  }
0x74: {  	_ =	shalt  }
0x75: {  	_ =	shalt  }
0x76: {  	_ =	shalt  }
0x77: {  	_ =	shalt  }
0x78: {  	_ =	shalt  }
0x79: {  	_ =	shalt  }
0x7a: {  	_ =	shalt  }
0x7b: {  	_ =	shalt  }
0x7c: {  	_ =	shalt  }
0x7d: {  	_ =	shalt  }
0x7e: {  	_ =	shalt  }
0x7f: {  	_ =	shalt  }
0x80: {  	_ =	shalt  }
0x81: {  	_ =	shalt  }
0x82: {  	_ =	shalt  }
0x83: {  	_ =	shalt  }
0x84: {  	_ =	shalt  }
0x85: {  	_ =	shalt  }
0x86: {  	_ =	shalt  }
0x87: {  	_ =	shalt  }
.Lfunc_end0:
.L_simem_size_0:
called_computation_lowered:
.L_overlay_start_0:
0x88: {  	s2 =	sld [smem:$0x3FD9]  }
0x89: {  	s3 =	sld [smem:$0x3FFE];
	_ =	sdelay $0x1  }
0x8a: {  	s1 =	srdreg.scid  }
0x8b: {  	s0 =	sand.u32 $0x1, s1  }
0x8c: {  	s17 =	sshll.u32 s0, $0xA;
	s2 =	sadd.s32 s3, s2  }
0x8d: {  	s2 =	sadd.s32 s2, s17  }
0x8e: {  	[smem:$0x3FC5] =	sst s2  }
0x8f: {  	_ = 	snop  }
0x90: {  	s2 =	sld [smem:$0x3FC7];
	(tm) =	ssettm $0x1  }
0x91: {  	s18 =	sld [smem:$0x3FFB];
	_ =	sdelay $0x3  }
0x92: {  	_ =	strace s18  }
0x93: {  	s3 =	sld [smem:$0x3FFC];
	_ =	sdelay $0x3  }
0x94: {  	_ =	strace s3  }
0x95: {  	s3 =	sld [smem:$0x3FFD];
	_ =	sdelay $0x3  }
0x96: {  	_ =	strace s3  }
0x97: {  	_ =	strace $0x8FFFFFFF  }
0x98: {  	s19 =	sld [smem:$0x3FDB];
	_ =	sdelay $0x1  }
0x99: {  	s4 =	simm.s32 $_scs_section_size  }
0x9a: {  	s5 =	simm.s32 $_size__tile_overlayer_lowered;
	s6 =	simm.s32 $_tile_overlayer_lowered  }
0x9b: {  	s22 =	simm.s32 $0x1BFF;
	s21 =	sshll.u32 s6, $0x1;
	s3 =	sadd.s32 s4, s19  }
0x9c: {  	s7 =	simm.s32 $0x0;
	s20 =	sshll.u32 s5, $0x1;
	s5 =	sadd.s32 s21, s3  }
0x9d: {  	[timem:s7], [sflag:s22] =	dma.local [hbm:s5], s20  }
0x9e: {  	_ =	swait.ge [sflag:s22], s20  }
0x9f: {  	s4 =	ssub.s32 $0x0, s20;
	[sflag:s22] =	ssyncset.done $0x0  }
0xa0: {  	[sflag:s22] =	ssyncadd.s32 s4;
	_ =	sdelay $0x1  }
0xa1: {  	s23 =	simm.s32 $0x1B8B  }
0xa2: {  	_ =	swait.ge [sflag:s23], $0x1  }
0xa3: {  	[sflag:s23] =	ssyncset.done $0x0  }
0xa4: {  	s25 =	simm.s32 $0x1B8E;
	s24 =	sld [smem:$0x3FFE];
	[sflag:s23] =	ssyncadd.s32 $0xFFFFFFFF  }
0xa5: {  	s26 =	simm.s32 $execute0_lowered;
	[smem:$0x3FD2] =	sst s25  }
0xa6: {  	s5 =	sshll.u32 s26, $0x1;
	_ =	strace $0x80000046;
	[dreg:$0x1] =	wrdreg $0xFFFFFFFF  }
0xa7: {  	s28 =	simm.s32 $_size_execute0_lowered;
	s3 =	sadd.s32 s3, s5;
	[dreg:$0x0] =	wrdreg $0x0  }
0xa8: {  	s5 =	sshll.u32 s28, $0x1;
	[dreg:$0x2] =	wrdreg s3  }
0xa9: {  	[dreg:$0x3] =	wrdreg s5  }
0xaa: {  	[dreg:$0x4] =	wrdreg $0xC0  }
0xab: {  	_ =	task [dreg:s7], $0x5FFFF  }
0xac: {  	[dreg:$0x1] =	wrdreg $0xFFFFFFFF  }
0xad: {  	[dreg:$0x0] =	wrdreg $0x60  }
0xae: {  	[dreg:$0x2] =	wrdreg s2  }
0xaf: {  	[dreg:$0x3] =	wrdreg s24  }
0xb0: {  	[dreg:$0x4] =	wrdreg $0x9  }
0xb1: {  	_ =	task.clear_ibuf [dreg:s7], $0x5FFFF;
	_ =	strace $0x90000046  }
0xb2: {  	s29 =	simm.s32 $0x9;
	_ =	strace $0x80000048  }
0xb3: {  	_ =	swait.ge [sflag:s29], $0x1  }
0xb4: {  	[sflag:s29] =	ssyncadd.s32 $0xFFFFFFFF  }
0xb5: {  	_ =	strace $0x90000048  }
0xb6: {  	_ =	sfence  }
0xb7: {  	s30 =	sld [smem:$0x0];
	_ =	sdelay $0x2  }
0xb8: {  	s31 =	sshll.u32 s1, $0xD;
	s1 =	sshrl.u32 s1, $0x2  }
0xb9: {  	s3 =	sand.u32 $0x4000, s31;
	s1 =	sadd.s32 s1, s30  }
0xba: {  	s0 =	sor.u32 s3, s0;
	s1 =	sshll.u32 s1, $0x11  }
0xbb: {  	s0 =	sor.u32 s1, s0  }
0xbc: {  	s0 =	sadd.s32 $0x8F2B, s0  }
0xbd: {  	[sflag:s0] =	ssyncadd.remote.s32 $0x1  }
0xbe: {  	_ =	sfence.sel $0xFFFF  }
0xbf: {  	[dreg:$0x0] =	wrdreg $0xFFFFFFFF;
	(pc) =	sbr.abs _section_cstart, $3  }
0xc0: {  	[dreg:$0x1] =	wrdreg $0xFFFFFFFF  }
0xc1: {  	_ =	task.clear_ibuf [dreg:s7], $0x2FFFF;
	_ =	strace $0x9FFFFFFF  }
0xc2: {  	(tm) =	ssettm $0x7FFFFFFF  }
0xc3: {  	_ =	shalt  }
tec
execute0_lowered:
.L_overlay_start_1:
0x0: {  	(tag) =	ssettag $0x1  }
0x1: {  	s3 =	rddreg [dreg:$0x0]  }
0x2: {  	s4 =	rddreg [dreg:$0x1]  }
0x3: {  	s0 =	rddreg [dreg:$0x2]  }
0x4: {  	s2 =	simm.s32 $0x0;
	s5 =	srdreg.scid;
	s1 =	stileid.u32  }
0x5: {  	s10 =	simm.s32 $0x0;
	[smem:$0x7FF] =	sst s2;
	s5 =	sand.u32 $0x1, s5  }
0x6: {  	s6 =	sshll.u32 s1, $0x8;
	s9 =	sshll.u32 s1, $0x10;
	s7 =	sshll.u32 s5, $0x7  }
0x7: {  	s8 =	sand.u32 $0x300, s6;
	s6 =	sand.u32 $0xC00, s6;
	s30 =	sand.u32 $0xC0000, s9  }
0x8: {  	_ =	strace $0x80000047;
	s5 =	ssub.s32 $0x2, s5;
	s9 =	simm.s32 $0x8000  }
0x9: {  	s7 =	sor.u32 s7, s8;
	s31 =	sshrl.u32 s5, $0x1;
	s8 =	simm.s32 $0x1  }
0xa: {  	s6 =	sor.u32 s6, s7;
	s7 =	sor.u32 s30, s7;
	s5 =	ssub.s32 s5, s31  }
0xb: {  	s6 =	sshrl.u32 s6, $0x3;
	s7 =	sshrl.u32 s7, $0x3;
	s5 =	smax.u32 s5, $0x1  }
0xc: {  	s4 =	sadd.s32 s6, s4;
	s3 =	sadd.s32 s7, s3;
	s6 =	simm.s32 $0x80  }
0xd: {  	s7 =	simm.s32 $0x400;
	s3 =	sadd.s32 $0x60000, s3;
	s4 =	sadd.s32 $0x800, s4  }
.LBB2_1:
0xe: {  	[tilespmem:s2], [sflag:$0x1] =	stream.strided.gather [hbm4b:s3+s6], $0x8000, s7, s6, $0x38;
	[tilespmem:$0x8080] =	vst v63  }
0xf: {  	_ =	swait.ge [sflag:s8], $0x8000  }
0x10: {  	[sflag:s8] =	ssyncset.done $0x0  }
0x11: {  	s11 =	simm.s32 $0x0;
	[sflag:s8] =	ssyncadd.s32 $0xFFFF8000  }
0x12: {  	v1 =	vld [tilespmem:s11+$0xE0]  }
0x13: {  	v4 =	vld [tilespmem:s11+$0x0]  }
0x14: {  	v5 =	vld [tilespmem:s11+$0xB0]  }
0x15: {  	v6 =	vld [tilespmem:s11+$0x10]  }
0x16: {  	v7 =	vld [tilespmem:s11+$0xA0]  }
0x17: {  	v8 =	vld [tilespmem:s11+$0x20]  }
0x18: {  	v9 =	vld [tilespmem:s11+$0x90];
	v4 =	vand.u32 $0x7FFFFFFF, v4  }
0x19: {  	v10 =	vld [tilespmem:s11+$0x30];
	v4 =	vsub.f32 $0.0e+00, v4  }
0x1a: {  	v12 =	vld [tilespmem:s11+$0x80];
	v6 =	vand.u32 $0x7FFFFFFF, v6  }
0x1b: {  	v13 =	vld [tilespmem:s11+$0x40];
	v6 =	vsub.f32 $0.0e+00, v6;
	v4 =	vmul.f32 $1.442695020e+00, v4  }
0x1c: {  	v1 =	vand.u32 $0x7FFFFFFF, v1;
	v8 =	vand.u32 $0x7FFFFFFF, v8  }
0x1d: {  	v15 =	vld [tilespmem:s11+$0x50];
	v8 =	vsub.f32 $0.0e+00, v8;
	v6 =	vmul.f32 $1.442695020e+00, v6;
	(erf) = vpow2.f32 v4  }
0x1e: {  	v14 =	vld [tilespmem:s11+$0x60];
	v4 =	vand.u32 $0x7FFFFFFF, v5;
	v5 =	vand.u32 $0x7FFFFFFF, v7;
	v7 =	vand.u32 $0x7FFFFFFF, v10  }
0x1f: {  	v8 =	vmul.f32 $1.442695020e+00, v8;
	v10 =	vld [tilespmem:s11+$0x70];
	v7 =	vsub.f32 $0.0e+00, v7;
	(erf) = vpow2.f32 v6  }
0x20: {  	v6 =	vand.u32 $0x7FFFFFFF, v9;
	v9 =	vand.u32 $0x7FFFFFFF, v12;
	v12 =	vand.u32 $0x7FFFFFFF, v13  }
0x21: {  	v1 =	vsub.f32 $0.0e+00, v1;
	v12 =	vsub.f32 $0.0e+00, v12  }
0x22: {  	v13 =	vand.u32 $0x7FFFFFFF, v15;
	(erf) = vpow2.f32 v8;
	v7 =	vmul.f32 $1.442695020e+00, v7  }
0x23: {  	v2 =	vld [tilespmem:s11+$0xD0];
	v8 =	vand.u32 $0x7FFFFFFF, v14;
	v13 =	vsub.f32 $0.0e+00, v13;
	v12 =	vmul.f32 $1.442695020e+00, v12  }
0x24: {  	(erf) = vpow2.f32 v7;
	v7 =	vsub.f32 $0.0e+00, v8;
	v8 =	vand.u32 $0x7FFFFFFF, v10  }
0x25: {  	v14 =	vmul.f32 $1.442695020e+00, v1;
	v10 =	vmul.f32 $1.442695020e+00, v13;
	v8 =	vsub.f32 $0.0e+00, v8  }
0x26: {  	(erf) = vpow2.f32 v12;
	v7 =	vmul.f32 $1.442695020e+00, v7  }
0x27: {  	(erf) = vpow2.f32 v10;
	v1 =	vmul.f32 $1.442695020e+00, v8;
	v8 =	vsub.f32 $0.0e+00, v9;
	v12 =	vpop (erf)  }
0x28: {  	v2 =	vand.u32 $0x7FFFFFFF, v2;
	(erf) = vpow2.f32 v7;
	v13 =	vadd.f32 $1.000000000e+00, v12  }
0x29: {  	v2 =	vsub.f32 $0.0e+00, v2;
	v10 =	vpop (erf)  }
0x2a: {  	(erf) = vpow2.f32 v1;
	v9 =	vadd.f32 $1.000000000e+00, v10;
	v7 =	vmul.f32 v13, v13  }
0x2b: {  	v3 =	vld [tilespmem:s11+$0xC0];
	v6 =	vsub.f32 $0.0e+00, v6;
	v13 =	vmul.f32 $1.442695020e+00, v2;
	v2 =	vmul.f32 $1.442695020e+00, v8;
	v8 =	vpop (erf)  }
0x2c: {  	v1 =	vmul.f32 v9, v9;
	v9 =	vadd.f32 $1.000000000e+00, v8;
	(erf) = vrcp.f32 v7  }
0x2d: {  	v5 =	vsub.f32 $0.0e+00, v5;
	v6 =	vmul.f32 $1.442695020e+00, v6;
	v15 =	vpop (erf);
	(erf) = vpow2.f32 v2  }
0x2e: {  	v2 =	vmul.f32 v9, v9;
	v7 =	vadd.f32 $1.000000000e+00, v15;
	(erf) = vrcp.f32 v1  }
0x2f: {  	v5 =	vmul.f32 $1.442695020e+00, v5;
	v16 =	vpop (erf);
	(erf) = vpow2.f32 v6  }
0x30: {  	v3 =	vand.u32 $0x7FFFFFFF, v3;
	v17 =	vpop (erf);
	v6 =	vmul.f32 v7, v7;
	(erf) = vrcp.f32 v2  }
0x31: {  	v4 =	vsub.f32 $0.0e+00, v4;
	v7 =	vadd.f32 $1.000000000e+00, v16;
	v19 =	vpop (erf);
	(erf) = vpow2.f32 v5  }
0x32: {  	v3 =	vsub.f32 $0.0e+00, v3;
	(erf) = vrcp.f32 v6;
	v6 =	vadd.f32 $1.000000000e+00, v19  }
0x33: {  	v4 =	vmul.f32 $1.442695020e+00, v4;
	v5 =	vmul.f32 v7, v7;
	v7 =	vadd.f32 $1.000000000e+00, v17  }
0x34: {  	v3 =	vmul.f32 $1.442695020e+00, v3  }
0x35: {  	v9 =	vpop (erf);
	(erf) = vpow2.f32 v4;
	v4 =	vmul.f32 v7, v7  }
0x36: {  	v7 =	vadd.f32 $1.000000000e+00, v9;
	(erf) = vrcp.f32 v5;
	v5 =	vmul.f32 v6, v6;
	v6 =	vpop (erf)  }
0x37: {  	v0 =	vld [tilespmem:s11+$0xF0];
	(erf) = vpow2.f32 v3;
	v3 =	vmul.f32 v6, v12;
	v6 =	vpop (erf)  }
0x38: {  	v12 =	vadd.f32 $1.000000000e+00, v6;
	_ =	sdelay $0x1  }
0x39: {  	v11 =	vimm.f32 $0.0e+00;
	(erf) = vrcp.f32 v4;
	v4 =	vmul.f32 v7, v7;
	v7 =	vpop (erf)  }
0x3a: {  	(erf) = vpow2.f32 v13;
	v3 =	vadd.f32 v3, v11;
	v10 =	vmul.f32 v7, v10;
	v7 =	vpop (erf)  }
0x3b: {  	v0 =	vand.u32 $0x7FFFFFFF, v0;
	(erf) = vrcp.f32 v5;
	v5 =	vmul.f32 v12, v12;
	v12 =	vpop (erf)  }
0x3c: {  	v0 =	vsub.f32 $0.0e+00, v0;
	v3 =	vadd.f32 v10, v3;
	v10 =	vmul.f32 v12, v8  }
0x3d: {  	s11 =	simm.s32 $0x100  }
0x3e: {  	v0 =	vmul.f32 $1.442695020e+00, v0;
	v13 =	vld [tilespmem:s11+$0xD0];
	v11 =	vadd.f32 $1.000000000e+00, v7;
	(erf) = vpow2.f32 v14;
	v8 =	vpop (erf)  }
0x3f: {  	(erf) = vrcp.f32 v4;
	v12 =	vadd.f32 $1.000000000e+00, v8;
	v4 =	vpop (erf)  }
0x40: {  	v11 =	vmul.f32 v11, v11;
	(erf) = vpow2.f32 v0;
	v0 =	vadd.f32 v10, v3;
	v10 =	vpop (erf)  }
0x41: {  	v18 =	vld [tilespmem:s11+$0xB0];
	(erf) = vrcp.f32 v5;
	v5 =	vmul.f32 v12, v12;
	v12 =	vadd.f32 $1.000000000e+00, v10  }
0x42: {  	v1 =	vld [tilespmem:s11+$0xF0];
	v3 =	vmul.f32 v4, v15  }
0x43: {  	v2 =	vld [tilespmem:s11+$0xE0];
	v4 =	vand.u32 $0x7FFFFFFF, v13;
	v13 =	vpop (erf)  }
0x44: {  	v14 =	vld [tilespmem:s11+$0xC0];
	(erf) = vrcp.f32 v11;
	v3 =	vadd.f32 v3, v0;
	v13 =	vmul.f32 v13, v16;
	v11 =	vpop (erf)  }
0x45: {  	v15 =	vmul.f32 v12, v12;
	v12 =	vpop (erf)  }
0x46: {  	v22 =	vld [tilespmem:s11+$0xA0];
	v13 =	vadd.f32 v13, v3;
	v21 =	vmul.f32 v12, v17;
	v12 =	vpop (erf)  }
0x47: {  	v20 =	vadd.f32 $1.000000000e+00, v11;
	v23 =	vadd.f32 $1.000000000e+00, v12  }
0x48: {  	v1 =	vand.u32 $0x7FFFFFFF, v1;
	v2 =	vand.u32 $0x7FFFFFFF, v2;
	(erf) = vrcp.f32 v5;
	v16 =	vld [tilespmem:s11+$0x90]  }
0x49: {  	v0 =	vand.u32 $0x7FFFFFFF, v14;
	v14 =	vld [tilespmem:s11+$0x80];
	v3 =	vand.u32 $0x7FFFFFFF, v18;
	v18 =	vmul.f32 v20, v20;
	v5 =	vpop (erf)  }
0x4a: {  	(erf) = vrcp.f32 v15;
	v17 =	vld [tilespmem:s11+$0x0];
	v20 =	vadd.f32 v21, v13;
	v21 =	vmul.f32 v5, v19;
	v13 =	vpop (erf)  }
0x4b: {  	s12 =	simm.s32 $0x800;
	v15 =	vld [tilespmem:s11+$0x60];
	v5 =	vand.u32 $0x7FFFFFFF, v22;
	v19 =	vmul.f32 v23, v23;
	v22 =	vadd.f32 $1.000000000e+00, v13;
	v23 =	vpop (erf)  }
.LBB2_2:
0x4c: {  	p0 =	sne.s32 s12, $0x1FC00;
	v24 =	vld [tilespmem:s11+$0x10];
	v27 =	vadd.f32 v21, v20;
	v9 =	vmul.f32 v23, v9;
	(erf) = vrcp.f32 v18;
	v18 =	vpop (erf)  }
0x4d: {  	v21 =	vld [tilespmem:s11+$0x50];
	v16 =	vand.u32 $0x7FFFFFFF, v16;
	v22 =	vmul.f32 v22, v22;
	v23 =	vadd.f32 $1.000000000e+00, v18;
	v25 =	vpop (erf)  }
0x4e: {  	v26 =	vld [tilespmem:s11+$0x20];
	v9 =	vadd.f32 v9, v27;
	v6 =	vmul.f32 v25, v6;
	(erf) = vrcp.f32 v19  }
0x4f: {  	v14 =	vand.u32 $0x7FFFFFFF, v14;
	v17 =	vand.u32 $0x7FFFFFFF, v17;
	v19 =	vmul.f32 v23, v23;
	v20 =	vpop (erf)  }
0x50: {  	v23 =	vld [tilespmem:s11+$0x30];
	v6 =	vadd.f32 v6, v9;
	v7 =	vmul.f32 v20, v7;
	(erf) = vrcp.f32 v22  }
0x51: {  	v9 =	vsub.f32 $0.0e+00, v17;
	v15 =	vand.u32 $0x7FFFFFFF, v15;
	v17 =	vand.u32 $0x7FFFFFFF, v24;
	v20 =	vpop (erf)  }
0x52: {  	v22 =	vld [tilespmem:s11+$0x40];
	v6 =	vadd.f32 v7, v6;
	v7 =	vmul.f32 v20, v8;
	(erf) = vrcp.f32 v19  }
0x53: {  	v8 =	vsub.f32 $0.0e+00, v17;
	v19 =	vand.u32 $0x7FFFFFFF, v21;
	v17 =	vand.u32 $0x7FFFFFFF, v26;
	v20 =	vpop (erf)  }
0x54: {  	v9 =	vmul.f32 $1.442695020e+00, v9;
	v6 =	vadd.f32 v7, v6;
	v7 =	vmul.f32 v20, v10  }
0x55: {  	v8 =	vmul.f32 $1.442695020e+00, v8;
	v10 =	vsub.f32 $0.0e+00, v17;
	v21 =	vand.u32 $0x7FFFFFFF, v23;
	v20 =	vpop (erf)  }
0x56: {  	(erf) = vpow2.f32 v9;
	v6 =	vadd.f32 v7, v6;
	v7 =	vmul.f32 v20, v11  }
0x57: {  	v9 =	vmul.f32 $1.442695020e+00, v10;
	v10 =	vsub.f32 $0.0e+00, v21;
	v21 =	vand.u32 $0x7FFFFFFF, v22;
	v17 =	vpop (erf)  }
0x58: {  	v20 =	vld [tilespmem:s11+$0x70];
	(erf) = vpow2.f32 v8;
	v6 =	vadd.f32 v7, v6;
	v7 =	vmul.f32 v17, v12  }
0x59: {  	v1 =	vsub.f32 $0.0e+00, v1;
	v8 =	vmul.f32 $1.442695020e+00, v10;
	v10 =	vsub.f32 $0.0e+00, v21;
	v11 =	vpop (erf)  }
0x5a: {  	(erf) = vpow2.f32 v9;
	v6 =	vadd.f32 v7, v6;
	v7 =	vmul.f32 v11, v13  }
0x5b: {  	v2 =	vsub.f32 $0.0e+00, v2;
	v9 =	vmul.f32 $1.442695020e+00, v10;
	v10 =	vsub.f32 $0.0e+00, v19;
	v11 =	vpop (erf)  }
0x5c: {  	(erf) = vpow2.f32 v8;
	v6 =	vadd.f32 v7, v6;
	v7 =	vmul.f32 v11, v18  }
0x5d: {  	v4 =	vsub.f32 $0.0e+00, v4;
	v8 =	vsub.f32 $0.0e+00, v15;
	v11 =	vand.u32 $0x7FFFFFFF, v20  }
0x5e: {  	v15 =	vmul.f32 $1.442695020e+00, v10;
	(erf) = vpow2.f32 v9;
	v7 =	vadd.f32 v7, v6  }
0x5f: {  	v6 =	vmul.f32 $1.442695020e+00, v8;
	v8 =	vsub.f32 $0.0e+00, v11;
	v11 =	vmul.f32 $1.442695020e+00, v1;
	v12 =	vpop (erf)  }
0x60: {  	v13 =	vmul.f32 $1.442695020e+00, v2;
	v1 =	vadd.f32 $1.000000000e+00, v12;
	(erf) = vpow2.f32 v15  }
0x61: {  	v2 =	vmul.f32 $1.442695020e+00, v8;
	v8 =	vsub.f32 $0.0e+00, v14;
	v10 =	vpop (erf);
	(erf) = vpow2.f32 v6  }
0x62: {  	v4 =	vmul.f32 $1.442695020e+00, v4;
	v1 =	vmul.f32 v1, v1;
	v6 =	vadd.f32 $1.000000000e+00, v10  }
0x63: {  	v9 =	vsub.f32 $0.0e+00, v16;
	v8 =	vmul.f32 $1.442695020e+00, v8;
	v14 =	vpop (erf);
	(erf) = vpow2.f32 v2  }
0x64: {  	v2 =	vmul.f32 v6, v6;
	v6 =	vadd.f32 $1.000000000e+00, v14;
	(erf) = vrcp.f32 v1  }
0x65: {  	v5 =	vsub.f32 $0.0e+00, v5;
	v1 =	vmul.f32 $1.442695020e+00, v9;
	v15 =	vpop (erf);
	(erf) = vpow2.f32 v8  }
0x66: {  	s11 =	sshra.s32 s12, $0x2;
	v6 =	vmul.f32 v6, v6;
	v8 =	vadd.f32 $1.000000000e+00, v15;
	(erf) = vrcp.f32 v2  }
0x67: {  	v3 =	vsub.f32 $0.0e+00, v3;
	v5 =	vmul.f32 $1.442695020e+00, v5;
	v2 =	vld [tilespmem:s11+$0xF0];
	v16 =	vpop (erf);
	(erf) = vpow2.f32 v1  }
0x68: {  	v1 =	vmul.f32 v8, v8;
	v8 =	vadd.f32 $1.000000000e+00, v16;
	(erf) = vrcp.f32 v6  }
0x69: {  	v0 =	vsub.f32 $0.0e+00, v0;
	v3 =	vmul.f32 $1.442695020e+00, v3;
	v6 =	vld [tilespmem:s11+$0xE0];
	v17 =	vpop (erf);
	(erf) = vpow2.f32 v5  }
0x6a: {  	v5 =	vmul.f32 v8, v8;
	v8 =	vadd.f32 $1.000000000e+00, v17;
	(erf) = vrcp.f32 v1;
	v19 =	vpop (erf)  }
0x6b: {  	v0 =	vmul.f32 $1.442695020e+00, v0;
	v20 =	vadd.f32 $1.000000000e+00, v19;
	(erf) = vpow2.f32 v3  }
0x6c: {  	v1 =	vand.u32 $0x7FFFFFFF, v2;
	v3 =	vmul.f32 v8, v8;
	(erf) = vrcp.f32 v5;
	v9 =	vpop (erf)  }
0x6d: {  	v5 =	vmul.f32 v20, v20;
	v8 =	vadd.f32 $1.000000000e+00, v9;
	v18 =	vpop (erf);
	(erf) = vpow2.f32 v0  }
0x6e: {  	v2 =	vand.u32 $0x7FFFFFFF, v6;
	v0 =	vmul.f32 v18, v12;
	(erf) = vrcp.f32 v3;
	v6 =	vpop (erf)  }
0x6f: {  	v3 =	vmul.f32 v8, v8;
	v18 =	vadd.f32 $1.000000000e+00, v6;
	v12 =	vpop (erf);
	(erf) = vpow2.f32 v4  }
0x70: {  	v4 =	vld [tilespmem:s11+$0xD0];
	v0 =	vadd.f32 v0, v7;
	v10 =	vmul.f32 v12, v10;
	(erf) = vrcp.f32 v5;
	v7 =	vpop (erf)  }
0x71: {  	v5 =	vmul.f32 v18, v18;
	v12 =	vadd.f32 $1.000000000e+00, v7;
	v8 =	vpop (erf);
	(erf) = vpow2.f32 v13  }
0x72: {  	v13 =	vld [tilespmem:s11+$0xC0];
	v0 =	vadd.f32 v10, v0;
	v20 =	vmul.f32 v8, v14;
	(erf) = vrcp.f32 v3;
	v8 =	vpop (erf)  }
0x73: {  	v3 =	vmul.f32 v12, v12;
	v12 =	vadd.f32 $1.000000000e+00, v8;
	v14 =	vpop (erf);
	(erf) = vpow2.f32 v11  }
0x74: {  	v18 =	vld [tilespmem:s11+$0xB0];
	v0 =	vadd.f32 v20, v0;
	v20 =	vmul.f32 v14, v15;
	(erf) = vrcp.f32 v5;
	v10 =	vpop (erf)  }
0x75: {  	v4 =	vand.u32 $0x7FFFFFFF, v4;
	v5 =	vmul.f32 v12, v12;
	v23 =	vadd.f32 $1.000000000e+00, v10;
	v14 =	vpop (erf)  }
0x76: {  	v22 =	vld [tilespmem:s11+$0xA0];
	v15 =	vadd.f32 v20, v0;
	v14 =	vmul.f32 v14, v16;
	(erf) = vrcp.f32 v3;
	v11 =	vpop (erf)  }
.Ltmp0:
0x77: {  	v0 =	vand.u32 $0x7FFFFFFF, v13;
	v24 =	vmul.f32 v23, v23;
	v20 =	vadd.f32 $1.000000000e+00, v11;
	v3 =	vpop (erf);
	(pc) =	sbr.rel @p0 .LBB2_2-.Ltmp0, $4  }
0x78: {  	v16 =	vld [tilespmem:s11+$0x90];
	v15 =	vadd.f32 v14, v15;
	v21 =	vmul.f32 v3, v17;
	(erf) = vrcp.f32 v5;
	v12 =	vpop (erf)  }
0x79: {  	v14 =	vld [tilespmem:s11+$0x80];
	v3 =	vand.u32 $0x7FFFFFFF, v18;
	v18 =	vmul.f32 v20, v20;
	v25 =	vadd.f32 $1.000000000e+00, v12;
	v5 =	vpop (erf)  }
0x7a: {  	v17 =	vld [tilespmem:s11+$0x0];
	v20 =	vadd.f32 v21, v15;
	v21 =	vmul.f32 v5, v19;
	(erf) = vrcp.f32 v24;
	v13 =	vpop (erf)  }
0x7b: {  	s12 =	sadd.s32 $0x400, s12;
	v15 =	vld [tilespmem:s11+$0x60];
	v5 =	vand.u32 $0x7FFFFFFF, v22;
	v19 =	vmul.f32 v25, v25;
	v22 =	vadd.f32 $1.000000000e+00, v13;
	v23 =	vpop (erf)  }
0x7c: {  	v20 =	vadd.f32 v21, v20  }
0x7d: {  	v9 =	vmul.f32 v23, v9;
	v1 =	vsub.f32 $0.0e+00, v1;
	v2 =	vsub.f32 $0.0e+00, v2  }
0x7e: {  	v39 =	vld [tilespmem:s11+$0x10];
	(erf) = vrcp.f32 v18;
	v4 =	vsub.f32 $0.0e+00, v4;
	v5 =	vsub.f32 $0.0e+00, v5  }
0x7f: {  	v38 =	vpop (erf);
	v3 =	vsub.f32 $0.0e+00, v3;
	v0 =	vsub.f32 $0.0e+00, v0;
	v16 =	vand.u32 $0x7FFFFFFF, v16  }
0x80: {  	v42 =	vld [tilespmem:s11+$0x20];
	v40 =	vpop (erf);
	v22 =	vmul.f32 v22, v22;
	v41 =	vadd.f32 $1.000000000e+00, v38;
	(erf) = vrcp.f32 v19  }
0x81: {  	v9 =	vadd.f32 v9, v20;
	v6 =	vmul.f32 v40, v6;
	v17 =	vand.u32 $0x7FFFFFFF, v17  }
0x82: {  	v45 =	vld [tilespmem:s11+$0x30];
	v14 =	vand.u32 $0x7FFFFFFF, v14;
	v1 =	vmul.f32 $1.442695020e+00, v1;
	v17 =	vsub.f32 $0.0e+00, v17  }
0x83: {  	v2 =	vmul.f32 $1.442695020e+00, v2;
	v44 =	vmul.f32 v41, v41;
	v46 =	vand.u32 $0x7FFFFFFF, v39  }
0x84: {  	v48 =	vld [tilespmem:s11+$0x40];
	v43 =	vpop (erf);
	(erf) = vrcp.f32 v22;
	v49 =	vsub.f32 $0.0e+00, v46;
	v17 =	vmul.f32 $1.442695020e+00, v17  }
0x85: {  	v6 =	vadd.f32 v6, v9;
	v47 =	vpop (erf);
	(erf) = vrcp.f32 v44;
	v50 =	vand.u32 $0x7FFFFFFF, v42  }
0x86: {  	v24 =	vld [tilespmem:s11+$0x50];
	v54 =	vsub.f32 $0.0e+00, v50;
	v52 =	vpop (erf);
	v9 =	vmul.f32 $1.442695020e+00, v49;
	(erf) = vpow2.f32 v17  }
0x87: {  	v7 =	vmul.f32 v43, v7;
	v18 =	vand.u32 $0x7FFFFFFF, v45;
	v53 =	vmul.f32 v52, v10  }
0x88: {  	v57 =	vsub.f32 $0.0e+00, v18;
	v10 =	vmul.f32 $1.442695020e+00, v54;
	(erf) = vpow2.f32 v9  }
0x89: {  	v59 =	vld [tilespmem:s11+$0x70];
	v4 =	vmul.f32 $1.442695020e+00, v4;
	v6 =	vadd.f32 v7, v6;
	v7 =	vand.u32 $0x7FFFFFFF, v48  }
0x8a: {  	v7 =	vsub.f32 $0.0e+00, v7;
	v61 =	vmul.f32 $1.442695020e+00, v57;
	v55 =	vpop (erf);
	(erf) = vpow2.f32 v10  }
0x8b: {  	v32 =	vsub.f32 $0.0e+00, v16;
	v15 =	vand.u32 $0x7FFFFFFF, v15;
	v51 =	vand.u32 $0x7FFFFFFF, v24  }
0x8c: {  	v17 =	vsub.f32 $0.0e+00, v51;
	v7 =	vmul.f32 $1.442695020e+00, v7;
	v58 =	vpop (erf);
	(erf) = vpow2.f32 v61  }
0x8d: {  	v5 =	vmul.f32 $1.442695020e+00, v5;
	v3 =	vmul.f32 $1.442695020e+00, v3;
	v21 =	vsub.f32 $0.0e+00, v15;
	v62 =	vpop (erf)  }
0x8e: {  	v22 =	vand.u32 $0x7FFFFFFF, v59;
	v10 =	vmul.f32 $1.442695020e+00, v17;
	(erf) = vpow2.f32 v7;
	v19 =	vpop (erf)  }
0x8f: {  	v36 =	vmul.f32 $1.442695020e+00, v32;
	v24 =	vsub.f32 $0.0e+00, v22;
	v23 =	vmul.f32 $1.442695020e+00, v21;
	v25 =	vpop (erf)  }
0x90: {  	v8 =	vmul.f32 v47, v8;
	(erf) = vpow2.f32 v10;
	v26 =	vadd.f32 $1.000000000e+00, v25  }
0x91: {  	v28 =	vsub.f32 $0.0e+00, v14;
	v27 =	vmul.f32 $1.442695020e+00, v24;
	(erf) = vpow2.f32 v23;
	v29 =	vpop (erf)  }
0x92: {  	v56 =	vmul.f32 v55, v11;
	v30 =	vmul.f32 v26, v26;
	v31 =	vadd.f32 $1.000000000e+00, v29  }
0x93: {  	v6 =	vadd.f32 v8, v6;
	v11 =	vmul.f32 $1.442695020e+00, v28;
	(erf) = vpow2.f32 v27;
	v33 =	vpop (erf)  }
0x94: {  	v35 =	vadd.f32 $1.000000000e+00, v33;
	v34 =	vmul.f32 v31, v31;
	(erf) = vrcp.f32 v30  }
0x95: {  	v6 =	vadd.f32 v53, v6;
	v20 =	vmul.f32 v19, v38;
	v37 =	vpop (erf);
	(erf) = vpow2.f32 v11  }
0x96: {  	v39 =	vadd.f32 $1.000000000e+00, v37;
	v38 =	vmul.f32 v35, v35;
	(erf) = vrcp.f32 v34  }
0x97: {  	v60 =	vmul.f32 v58, v12;
	v6 =	vadd.f32 v56, v6;
	v40 =	vpop (erf);
	(erf) = vpow2.f32 v36  }
0x98: {  	v42 =	vadd.f32 $1.000000000e+00, v40;
	v41 =	vmul.f32 v39, v39;
	(erf) = vrcp.f32 v38  }
0x99: {  	v63 =	vmul.f32 v62, v13;
	v6 =	vadd.f32 v60, v6;
	v43 =	vpop (erf);
	(erf) = vpow2.f32 v5  }
0x9a: {  	v45 =	vadd.f32 $1.000000000e+00, v43;
	v44 =	vmul.f32 v42, v42;
	v46 =	vpop (erf);
	(erf) = vrcp.f32 v41  }
0x9b: {  	v0 =	vmul.f32 $1.442695020e+00, v0;
	v47 =	vadd.f32 $1.000000000e+00, v46;
	(erf) = vpow2.f32 v3  }
0x9c: {  	v48 =	vadd.f32 v63, v6;
	v49 =	vmul.f32 v45, v45;
	v50 =	vpop (erf);
	(erf) = vrcp.f32 v44  }
0x9d: {  	v52 =	vadd.f32 $1.000000000e+00, v50;
	v51 =	vmul.f32 v47, v47;
	v53 =	vpop (erf);
	(erf) = vpow2.f32 v0  }
0x9e: {  	v54 =	vadd.f32 v20, v48;
	v55 =	vmul.f32 v53, v25;
	(erf) = vrcp.f32 v49;
	v56 =	vpop (erf)  }
0x9f: {  	v57 =	vmul.f32 v52, v52;
	v58 =	vadd.f32 $1.000000000e+00, v56;
	v59 =	vpop (erf);
	(erf) = vpow2.f32 v4  }
0xa0: {  	v0 =	vadd.f32 v55, v54;
	v60 =	vmul.f32 v59, v29;
	(erf) = vrcp.f32 v51;
	v61 =	vpop (erf)  }
0xa1: {  	v62 =	vmul.f32 v58, v58;
	v63 =	vadd.f32 $1.000000000e+00, v61;
	v17 =	vpop (erf);
	(erf) = vpow2.f32 v2  }
0xa2: {  	v0 =	vadd.f32 v60, v0;
	v18 =	vmul.f32 v17, v33;
	(erf) = vrcp.f32 v57;
	v19 =	vpop (erf)  }
0xa3: {  	v20 =	vmul.f32 v63, v63;
	v21 =	vadd.f32 $1.000000000e+00, v19;
	v22 =	vpop (erf);
	(erf) = vpow2.f32 v1  }
0xa4: {  	v0 =	vadd.f32 v18, v0;
	v23 =	vmul.f32 v22, v37;
	(erf) = vrcp.f32 v62;
	v24 =	vpop (erf)  }
0xa5: {  	v25 =	vmul.f32 v21, v21;
	v26 =	vadd.f32 $1.000000000e+00, v24;
	v27 =	vpop (erf)  }
0xa6: {  	(erf) = vrcp.f32 v20;
	v0 =	vadd.f32 v23, v0;
	v28 =	vmul.f32 v27, v40;
	v29 =	vpop (erf)  }
0xa7: {  	v30 =	vmul.f32 v26, v26;
	v31 =	vadd.f32 $1.000000000e+00, v29;
	v32 =	vpop (erf)  }
0xa8: {  	(erf) = vrcp.f32 v25;
	v0 =	vadd.f32 v28, v0;
	v33 =	vmul.f32 v32, v43;
	v34 =	vpop (erf)  }
0xa9: {  	v35 =	vmul.f32 v31, v31;
	v36 =	vadd.f32 $1.000000000e+00, v34;
	v37 =	vpop (erf)  }
0xaa: {  	(erf) = vrcp.f32 v30;
	v0 =	vadd.f32 v33, v0;
	v38 =	vmul.f32 v37, v46;
	v39 =	vpop (erf)  }
0xab: {  	v40 =	vmul.f32 v36, v36;
	v41 =	vadd.f32 $1.000000000e+00, v39;
	v42 =	vpop (erf)  }
0xac: {  	(erf) = vrcp.f32 v35;
	v0 =	vadd.f32 v38, v0;
	v43 =	vmul.f32 v42, v50;
	v44 =	vpop (erf)  }
0xad: {  	v45 =	vmul.f32 v41, v41;
	v46 =	vadd.f32 $1.000000000e+00, v44;
	v47 =	vpop (erf)  }
0xae: {  	(erf) = vrcp.f32 v40;
	v0 =	vadd.f32 v43, v0;
	v48 =	vmul.f32 v47, v56  }
0xaf: {  	v50 =	vpop (erf);
	v49 =	vmul.f32 v46, v46  }
0xb0: {  	v51 =	vmul.f32 v50, v61;
	(erf) = vrcp.f32 v45;
	v0 =	vadd.f32 v48, v0  }
0xb1: {  	v52 =	vpop (erf)  }
0xb2: {  	v53 =	vmul.f32 v52, v19;
	(erf) = vrcp.f32 v49;
	v0 =	vadd.f32 v51, v0  }
0xb3: {  	v54 =	vpop (erf)  }
0xb4: {  	v55 =	vmul.f32 v54, v24;
	v0 =	vadd.f32 v53, v0  }
0xb5: {  	v56 =	vpop (erf)  }
0xb6: {  	v57 =	vmul.f32 v56, v29;
	v0 =	vadd.f32 v55, v0  }
0xb7: {  	v58 =	vpop (erf)  }
0xb8: {  	v59 =	vmul.f32 v58, v34;
	v0 =	vadd.f32 v57, v0  }
0xb9: {  	v60 =	vpop (erf)  }
0xba: {  	v61 =	vmul.f32 v60, v39;
	v0 =	vadd.f32 v59, v0  }
0xbb: {  	v62 =	vpop (erf)  }
0xbc: {  	v63 =	vmul.f32 v62, v44;
	v0 =	vadd.f32 v61, v0;
	_ =	sdelay $0x1  }
0xbd: {  	s10 =	sadd.s32 $0x1, s10;
	v0 =	vadd.f32 v63, v0  }
0xbe: {  	p0 =	sne.s32 s10, s5  }
.Ltmp1:
0xbf: {  	[tilespmem:$0x8000] =	vst v0;
	(pc) =	sbr.rel @p0 .LBB2_1-.Ltmp1, $4  }
0xc0: {  	[hbm4b:s4+s2] =	stream.linear.scatter [tilespmem:s9], [sflag:$0x1], $0x80, $0x38;
	[tilespmem:$0x8080] =	vst v63  }
0xc1: {  	_ =	swait.ge [sflag:s8], $0x80  }
0xc2: {  	[sflag:s8] =	ssyncset.done $0x0  }
0xc3: {  	[sflag:s8] =	ssyncadd.s32 $0xFFFFFF80  }
0xc4: {  	_ =	sfence.sel $0x180000  }
0xc5: {  	[bflag:$0x0] =	sbarrier.arrive $0xFFFF  }
0xc6: {  	p0 =	sne.s32 s1, $0x0;
	_ =	strace $0x90000047  }
0xc7: {  	s0 =	sadd.s32 @!p0 $0x100000, s0;
	[bflag:$0x2] =	sbarrier.arrive $0xFFFF  }
0xc8: {  	[sflag:s0] =	ssyncadd.tile.s32 @!p0 $0x1;
	_ =	shalt  }
.Lfunc_end2:
_tile_overlayer_lowered:
.L_overlay_start_2:
0xc9: {  	(tag) =	ssettag $0x2  }
0xca: {  	s0 =	rddreg [dreg:$0x0];
	s2 =	stileid.u32  }
0xcb: {  	s1 =	rddreg [dreg:$0x1];
	p0 =	sne.s32 s2, $0x0  }
0xcc: {  	s3 =	rddreg [dreg:$0x2];
	[bflag:$0x3] =	sbarrier.arrive $0xFFFF;
	s2 =	simm.s32 @!p0 $0x1C01  }
0xcd: {  	[timem:s3], [sflag:s2] =	dma.local @!p0 [hbm:s0], s1  }
0xce: {  	s0 =	simm.s32 @!p0 $0x1  }
0xcf: {  	_ =	swait.ge @!p0 [sflag:s0], s1  }
0xd0: {  	s1 =	ssub.s32 @!p0 $0x0, s1;
	[sflag:s0] =	ssyncset.done @!p0 $0x0  }
0xd1: {  	[sflag:s0] =	ssyncadd.s32 @!p0 s1  }
0xd2: {  	[bflag:$0x3] =	sbarrier.arrive $0xFFFF  }
0xd3: {  	_ =	shalt  }

</sc_bundles>
